<compile_context>
chip_gen: v7x
topology: tpu7x:2x2x1
jax: 0.10.2.dev20260603
libtpu: 0.0.44.dev20260713+nightly
codegen_flags: <defaults>
</compile_context>

<pallas_src>
import functools

import jax
import jax.numpy as jnp
from jax import lax
from jax.experimental import pallas as pl
from jax.experimental.pallas import tpu as pltpu
from jax.experimental.pallas import tpu_sc as plsc

N = 10000
E = 320000
D = 128
R = 256

NC = 2
NS = 16
NW = NC * NS

CB = 128
CB_S = 80
NCHUNK_S = (E // NW) // CB_S
E_PADDED = 323584
NCHUNK_C = 158
EC_TILE = NCHUNK_C * CB

HALF = N // 2
F_C = HALF * R
F_TOT = 1310720
ZC_CHUNK = F_TOT // NS

NACC = N + 16
ROWS_TILE = 624
ROWS_REM = NACC - NS * ROWS_TILE

NEG_SLOPE = (1.0 / 8.0 + 1.0 / 3.0) / 2.0

_MESH = plsc.VectorSubcoreMesh(
    core_axis_name="c", subcore_axis_name="s", num_cores=NC, num_subcores=NS
)


def _build_c_body(dst_hbm, et_hbm, zc_hbm, out_hbm, dst_v, et_v, flat_v, ones_v, c_sh):
    c = lax.axis_index("c")
    s = lax.axis_index("s")
    base = c * HALF

    pltpu.sync_copy(
        zc_hbm.at[pl.ds(s * ZC_CHUNK, ZC_CHUNK)],
        c_sh.at[pl.ds(s * ZC_CHUNK, ZC_CHUNK)],
    )
    pltpu.sync_copy(dst_hbm.at[pl.ds(s * EC_TILE, EC_TILE)], dst_v)
    pltpu.sync_copy(et_hbm.at[pl.ds(s * EC_TILE, EC_TILE)], et_v)
    for j in range(CB // 16):
        ones_v[pl.ds(j * 16, 16)] = jnp.full((16,), 1.0, jnp.float32)
    plsc.subcore_barrier()

    def chunk(i, carry):
        for j in range(CB // 16):
            d = dst_v[pl.ds(i * CB + j * 16, 16)]
            t = et_v[pl.ds(i * CB + j * 16, 16)]
            ok = (d >= base) & (d < base + HALF)
            flat = (d - base) * R + t
            flat_v[0, pl.ds(j * 16, 16)] = jnp.where(ok, flat, F_C)
        pltpu.sync_copy(ones_v, c_sh.at[flat_v.at[0]], add=True)
        return carry

    lax.fori_loop(0, NCHUNK_C, chunk, 0)
    plsc.subcore_barrier()
    pltpu.sync_copy(
        c_sh.at[pl.ds(s * ZC_CHUNK, ZC_CHUNK)],
        out_hbm.at[c, pl.ds(s * ZC_CHUNK, ZC_CHUNK)],
    )


def _spmm_body(src_hbm, dst_hbm, h_hbm, zs_hbm, out_hbm, src_v, dst_v, rows_v, acc_sh):
    c = lax.axis_index("c")
    s = lax.axis_index("s")
    wid = s * NC + c

    pltpu.sync_copy(
        zs_hbm.at[pl.ds(s * ROWS_TILE, ROWS_TILE)],
        acc_sh.at[pl.ds(s * ROWS_TILE, ROWS_TILE)],
    )

    @pl.when(s == NS - 1)
    def _zero_rem():
        pltpu.sync_copy(
            zs_hbm.at[pl.ds(NS * ROWS_TILE, ROWS_REM)],
            acc_sh.at[pl.ds(NS * ROWS_TILE, ROWS_REM)],
        )

    pltpu.sync_copy(src_hbm.at[wid], src_v)
    pltpu.sync_copy(dst_hbm.at[wid], dst_v)
    plsc.subcore_barrier()

    def chunk(i, carry):
        pltpu.sync_copy(h_hbm.at[src_v.at[i]], rows_v)
        pltpu.sync_copy(rows_v, acc_sh.at[dst_v.at[i]], add=True)
        return carry

    lax.fori_loop(0, NCHUNK_S, chunk, 0)
    plsc.subcore_barrier()
    pltpu.sync_copy(
        acc_sh.at[pl.ds(s * ROWS_TILE, ROWS_TILE)],
        out_hbm.at[c, pl.ds(s * ROWS_TILE, ROWS_TILE)],
    )

    @pl.when(s == NS - 1)
    def _write_rem():
        pltpu.sync_copy(
            acc_sh.at[pl.ds(NS * ROWS_TILE, N - NS * ROWS_TILE)],
            out_hbm.at[c, pl.ds(NS * ROWS_TILE, N - NS * ROWS_TILE)],
        )


@functools.partial(
    pl.kernel,
    out_type=jax.ShapeDtypeStruct((NC, F_TOT), jnp.float32),
    mesh=_MESH,
    scratch_types=[
        pltpu.VMEM((EC_TILE,), jnp.int32),
        pltpu.VMEM((EC_TILE,), jnp.int32),
        pltpu.VMEM((1, CB), jnp.int32),
        pltpu.VMEM((CB,), jnp.float32),
        pltpu.VMEM_SHARED((F_TOT,), jnp.float32),
    ],
)
def _build_c(dst_hbm, et_hbm, zc_hbm, out_hbm, dst_v, et_v, flat_v, ones_v, c_sh):
    _build_c_body(dst_hbm, et_hbm, zc_hbm, out_hbm, dst_v, et_v, flat_v, ones_v, c_sh)


@functools.partial(
    pl.kernel,
    out_type=jax.ShapeDtypeStruct((NC, N, D), jnp.float32),
    mesh=_MESH,
    scratch_types=[
        pltpu.VMEM((NCHUNK_S, CB_S), jnp.int32),
        pltpu.VMEM((NCHUNK_S, CB_S), jnp.int32),
        pltpu.VMEM((CB_S, D), jnp.float32),
        pltpu.VMEM_SHARED((NACC, D), jnp.float32),
    ],
)
def _spmm(src_hbm, dst_hbm, h_hbm, zs_hbm, out_hbm, src_v, dst_v, rows_v, acc_sh):
    _spmm_body(src_hbm, dst_hbm, h_hbm, zs_hbm, out_hbm, src_v, dst_v, rows_v, acc_sh)


def _tc_layer_body(s0, s1, h, cb, re, nb, wn, lw, ew, out):
    f32 = jnp.float32
    ssum = s0[...] + s1[...]
    rw = jnp.dot(re[...], wn[...], preferred_element_type=f32)
    agg = (
        jnp.dot(ssum, wn[...], preferred_element_type=f32)
        + jnp.dot(cb[...], rw, preferred_element_type=f32)
    ) * nb[...]
    indeg = jnp.sum(cb[...], axis=1, keepdims=True)
    hb = h[...]
    lm = jnp.where(
        indeg > 0,
        jnp.dot(hb, lw[...], preferred_element_type=f32),
        jnp.dot(hb, ew[...], preferred_element_type=f32),
    )
    x = agg + lm
    out[...] = jnp.where(x >= 0, x, x * NEG_SLOPE)


def _tc_layer(s0, s1, h, c_mat, rel_emb, norm, wn, lw, ew):
    bn = 1000
    grid = (N // bn,)
    blk = lambda shape: pl.BlockSpec(shape, lambda i: (i, 0))
    rep = lambda shape: pl.BlockSpec(shape, lambda i: (0, 0))
    return pl.pallas_call(
        _tc_layer_body,
        grid=grid,
        in_specs=[
            blk((bn, D)),
            blk((bn, D)),
            blk((bn, D)),
            blk((bn, R)),
            rep((R, D)),
            blk((bn, 1)),
            rep((D, D)),
            rep((D, D)),
            rep((D, D)),
        ],
        out_specs=blk((bn, D)),
        out_shape=jax.ShapeDtypeStruct((N, D), jnp.float32),
    )(s0, s1, h, c_mat, rel_emb, norm, wn, lw, ew)


def kernel(init_ent_emb, edge_index, edge_type, node_id, norm, rel_emb,
           wn0, lw0, ew0, wn1, lw1, ew1):
    src_r = edge_index[0].reshape(NW, NCHUNK_S, CB_S)
    dst_r = edge_index[1].reshape(NW, NCHUNK_S, CB_S)
    npad = E_PADDED - E
    dstp = jnp.concatenate([edge_index[1], jnp.full((npad,), N, jnp.int32)])
    etp = jnp.concatenate([edge_type, jnp.zeros((npad,), jnp.int32)])
    zc = jnp.zeros((F_TOT,), jnp.float32)
    zs = jnp.zeros((NACC, D), jnp.float32)

    c2 = _build_c(dstp, etp, zc)
    c_mat = c2[:, :F_C].reshape(N, R)

    h = init_ent_emb
    for (wn, lw, ew) in ((wn0, lw0, ew0), (wn1, lw1, ew1)):
        s2 = _spmm(src_r, dst_r, h, zs)
        h = _tc_layer(s2[0], s2[1], h, c_mat, rel_emb, norm, wn, lw, ew)
    return h

# --- scband reference (transcript-rebuilt; emitter-appended) ---
"""Pipeline reference for scband-rgcncell-7017976561679 (READ-ONLY COPY).

The authoritative reference and input builder live on the scoring server;
editing this copy changes nothing except your own understanding.
"""

import jax, jax.numpy as jnp
import numpy as np

N = 10000
E = 320000
D = 128
R = 256


def _rrelu(x):
    # F.rrelu in eval mode uses fixed slope (lower+upper)/2 = (1/8 + 1/3)/2
    neg_slope = (1.0 / 8.0 + 1.0 / 3.0) / 2.0
    return jnp.where(x >= 0, x, x * neg_slope)


def setup_inputs(seed: int = 0) -> dict:
    key = jax.random.key(seed)
    ks = jax.random.split(key, 12)
    s = 1.0 / np.sqrt(D)
    return {
        "init_ent_emb": jax.random.normal(ks[0], (N, D), dtype=jnp.float32),
        "edge_index": jax.random.randint(ks[1], (2, E), 0, N, dtype=jnp.int32),
        "edge_type": jax.random.randint(ks[2], (E,), 0, R, dtype=jnp.int32),
        "node_id": jnp.arange(N, dtype=jnp.int32),
        "norm": jax.random.uniform(ks[3], (N, 1), dtype=jnp.float32),
        "rel_emb": jax.random.normal(ks[4], (R, D), dtype=jnp.float32) * s,
        "wn0": jax.random.normal(ks[5], (D, D), dtype=jnp.float32) * s,
        "lw0": jax.random.normal(ks[6], (D, D), dtype=jnp.float32) * s,
        "ew0": jax.random.normal(ks[7], (D, D), dtype=jnp.float32) * s,
        "wn1": jax.random.normal(ks[8], (D, D), dtype=jnp.float32) * s,
        "lw1": jax.random.normal(ks[9], (D, D), dtype=jnp.float32) * s,
        "ew1": jax.random.normal(ks[10], (D, D), dtype=jnp.float32) * s,
    }


def reference(init_ent_emb, edge_index, edge_type, node_id, norm, rel_emb,
              wn0, lw0, ew0, wn1, lw1, ew1):
    src = edge_index[0]
    dst = edge_index[1]
    # RGCNCell.forward: h = init_ent_emb[node_id]
    h = jnp.take(init_ent_emb, node_id, axis=0)
    # in-degree mask (nodes with in_degree > 0 use loop_weight, else evolve_loop_weight)
    in_deg = jax.ops.segment_sum(jnp.ones((E,), dtype=jnp.float32), dst, num_segments=N)
    has_in = in_deg > 0
    for (wn, lw, ew) in ((wn0, lw0, ew0), (wn1, lw1, ew1)):
        # UnionRGCNLayer.forward
        loop_message = jnp.where(has_in[:, None], h @ lw, h @ ew)
        # msg_func: msg = (h[src] + rel_emb[edge_type]) @ weight_neighbor
        msg = (jnp.take(h, src, axis=0) + jnp.take(rel_emb, edge_type, axis=0)) @ wn
        # fn.sum reduce to dst, apply_func: h = h * norm
        agg = jax.ops.segment_sum(msg, dst, num_segments=N) * norm
        # node_repr = h + loop_message; activation = F.rrelu (eval mode)
        h = _rrelu(agg + loop_message)
    return h

if __name__ == "__main__":
    import jax
    _d = setup_inputs()
    print(jax.jit(kernel)(*tuple(_d.values())))

</pallas_src>

<mosaic_0001>
#map = affine_map<(d0, d1) -> (0, 0, 0)>
#map1 = affine_map<(d0, d1) -> (0, 0)>
module attributes {stable_mosaic.version = 14 : i64} {
  func.func @_spmm(%arg0: i32, %arg1: i32, %arg2: memref<32x125x80xi32, #tpu.memory_space<hbm>>, %arg3: memref<32x125x80xi32, #tpu.memory_space<hbm>>, %arg4: memref<10000x128xf32, #tpu.memory_space<hbm>>, %arg5: memref<10016x128xf32, #tpu.memory_space<hbm>>, %arg6: memref<2x10000x128xf32, #tpu.memory_space<hbm>>, %arg7: memref<125x80xi32, #tpu.memory_space<vmem>>, %arg8: memref<125x80xi32, #tpu.memory_space<vmem>>, %arg9: memref<80x128xf32, #tpu.memory_space<vmem>>, %arg10: memref<10016x128xf32, #tpu.memory_space<vmem_shared>>) attributes {dimension_semantics = [#tpu.dimension_semantics<core_parallel>, #tpu.dimension_semantics<subcore_parallel>], iteration_bounds = array<i64: 2, 16>, scalar_prefetch = 0 : i64, scratch_operands = 4 : i64, tpu.core_type = #tpu.core_type<sc_vector_subcore>, window_params = [{transform_indices = #map}, {transform_indices = #map}, {transform_indices = #map1}, {transform_indices = #map1}, {transform_indices = #map}]} {
    %mul3A = arith.constant 2 : i32
    %mul3A_0 = arith.muli %arg1, %mul3A : i32
    %add3A = arith.addi %mul3A_0, %arg0 : i32
    %mul3A_1 = arith.constant 624 : i32
    %mul3A_2 = arith.muli %arg1, %mul3A_1 : i32
    %mul3A_3 = arith.constant 624 : i32
    %mul3A_4 = arith.muli %arg1, %mul3A_3 : i32
    "tpu.region"() ({
      %run_scoped3A = tpu.sem_alloc : memref<!tpu.dma_semaphore, #tpu.memory_space<semaphore_mem>>
      %dma_start3A = arith.constant 0 : i32
      %dma_start3A_22 = tpu.memref_slice %arg10[%mul3A_4, %dma_start3A] : memref<10016x128xf32, #tpu.memory_space<vmem_shared>> -> memref<624x128xf32, #tpu.memory_space<vmem_shared>>
      %dma_start3A_23 = arith.constant 0 : i32
      %dma_start3A_24 = tpu.memref_slice %arg5[%mul3A_2, %dma_start3A_23] : memref<10016x128xf32, #tpu.memory_space<hbm>> -> memref<624x128xf32, #tpu.memory_space<hbm>>
      tpu.enqueue_dma source(%dma_start3A_24 : memref<624x128xf32, #tpu.memory_space<hbm>>) target(%dma_start3A_22 : memref<624x128xf32, #tpu.memory_space<vmem_shared>>) target_semaphore(%run_scoped3A : memref<!tpu.dma_semaphore, #tpu.memory_space<semaphore_mem>>)
      %dma_wait3A = arith.constant 0 : i32
      %dma_wait3A_25 = tpu.memref_slice %arg10[%mul3A_4, %dma_wait3A] : memref<10016x128xf32, #tpu.memory_space<vmem_shared>> -> memref<624x128xf32, #tpu.memory_space<vmem_shared>>
      %dma_wait3A_26 = arith.constant 0 : i32
      %dma_wait3A_27 = tpu.memref_slice %arg5[%mul3A_2, %dma_wait3A_26] : memref<10016x128xf32, #tpu.memory_space<hbm>> -> memref<624x128xf32, #tpu.memory_space<hbm>>
      tpu.wait_dma2 semaphore(%run_scoped3A : memref<!tpu.dma_semaphore, #tpu.memory_space<semaphore_mem>>) src(%dma_wait3A_27 : memref<624x128xf32, #tpu.memory_space<hbm>>) dst(%dma_wait3A_25 : memref<624x128xf32, #tpu.memory_space<vmem_shared>>)
      tpu.yield
    }) : () -> ()
    %eq3A = arith.constant 15 : i32
    %eq3A_5 = arith.cmpi eq, %arg1, %eq3A : i32
    %convert_element_type3A = arith.extui %eq3A_5 : i1 to i32
    %cond3A = arith.constant 0 : i32
    %cond3A_6 = arith.cmpi ne, %convert_element_type3A, %cond3A : i32
    scf.if %cond3A_6 {
      "tpu.region"() ({
        %run_scoped3A = tpu.sem_alloc : memref<!tpu.dma_semaphore, #tpu.memory_space<semaphore_mem>>
        %dma_start3A = arith.constant 9984 : i32
        %dma_start3A_22 = arith.constant 0 : i32
        %dma_start3A_23 = tpu.memref_slice %arg10[%dma_start3A, %dma_start3A_22] : memref<10016x128xf32, #tpu.memory_space<vmem_shared>> -> memref<32x128xf32, #tpu.memory_space<vmem_shared>>
        %dma_start3A_24 = arith.constant 9984 : i32
        %dma_start3A_25 = arith.constant 0 : i32
        %dma_start3A_26 = tpu.memref_slice %arg5[%dma_start3A_24, %dma_start3A_25] : memref<10016x128xf32, #tpu.memory_space<hbm>> -> memref<32x128xf32, #tpu.memory_space<hbm>>
        tpu.enqueue_dma source(%dma_start3A_26 : memref<32x128xf32, #tpu.memory_space<hbm>>) target(%dma_start3A_23 : memref<32x128xf32, #tpu.memory_space<vmem_shared>>) target_semaphore(%run_scoped3A : memref<!tpu.dma_semaphore, #tpu.memory_space<semaphore_mem>>)
        %dma_wait3A = arith.constant 9984 : i32
        %dma_wait3A_27 = arith.constant 0 : i32
        %dma_wait3A_28 = tpu.memref_slice %arg10[%dma_wait3A, %dma_wait3A_27] : memref<10016x128xf32, #tpu.memory_space<vmem_shared>> -> memref<32x128xf32, #tpu.memory_space<vmem_shared>>
        %dma_wait3A_29 = arith.constant 9984 : i32
        %dma_wait3A_30 = arith.constant 0 : i32
        %dma_wait3A_31 = tpu.memref_slice %arg5[%dma_wait3A_29, %dma_wait3A_30] : memref<10016x128xf32, #tpu.memory_space<hbm>> -> memref<32x128xf32, #tpu.memory_space<hbm>>
        tpu.wait_dma2 semaphore(%run_scoped3A : memref<!tpu.dma_semaphore, #tpu.memory_space<semaphore_mem>>) src(%dma_wait3A_31 : memref<32x128xf32, #tpu.memory_space<hbm>>) dst(%dma_wait3A_28 : memref<32x128xf32, #tpu.memory_space<vmem_shared>>)
        tpu.yield
      }) : () -> ()
    } else {
    }
    "tpu.region"() ({
      %run_scoped3A = tpu.sem_alloc : memref<!tpu.dma_semaphore, #tpu.memory_space<semaphore_mem>>
      %dma_start3A = arith.constant 0 : i32
      %dma_start3A_22 = arith.constant 0 : i32
      %dma_start3A_23 = tpu.memref_slice %arg2[%add3A, %dma_start3A, %dma_start3A_22] : memref<32x125x80xi32, #tpu.memory_space<hbm>> -> memref<1x125x80xi32, #tpu.memory_space<hbm>>
      %dma_start3A_24 = tpu.memref_squeeze %dma_start3A_23 : memref<1x125x80xi32, #tpu.memory_space<hbm>> -> memref<125x80xi32, #tpu.memory_space<hbm>>
      %dma_start3A_25 = arith.constant 0 : i32
      %dma_start3A_26 = arith.constant 0 : i32
      %dma_start3A_27 = tpu.memref_slice %arg2[%add3A, %dma_start3A_25, %dma_start3A_26] : memref<32x125x80xi32, #tpu.memory_space<hbm>> -> memref<1x125x80xi32, #tpu.memory_space<hbm>>
      %dma_start3A_28 = tpu.memref_squeeze %dma_start3A_27 : memref<1x125x80xi32, #tpu.memory_space<hbm>> -> memref<125x80xi32, #tpu.memory_space<hbm>>
      tpu.enqueue_dma source(%dma_start3A_28 : memref<125x80xi32, #tpu.memory_space<hbm>>) target(%arg7 : memref<125x80xi32, #tpu.memory_space<vmem>>) target_semaphore(%run_scoped3A : memref<!tpu.dma_semaphore, #tpu.memory_space<semaphore_mem>>)
      %dma_wait3A = arith.constant 0 : i32
      %dma_wait3A_29 = arith.constant 0 : i32
      %dma_wait3A_30 = tpu.memref_slice %arg2[%add3A, %dma_wait3A, %dma_wait3A_29] : memref<32x125x80xi32, #tpu.memory_space<hbm>> -> memref<1x125x80xi32, #tpu.memory_space<hbm>>
      %dma_wait3A_31 = tpu.memref_squeeze %dma_wait3A_30 : memref<1x125x80xi32, #tpu.memory_space<hbm>> -> memref<125x80xi32, #tpu.memory_space<hbm>>
      %dma_wait3A_32 = arith.constant 0 : i32
      %dma_wait3A_33 = arith.constant 0 : i32
      %dma_wait3A_34 = tpu.memref_slice %arg2[%add3A, %dma_wait3A_32, %dma_wait3A_33] : memref<32x125x80xi32, #tpu.memory_space<hbm>> -> memref<1x125x80xi32, #tpu.memory_space<hbm>>
      %dma_wait3A_35 = tpu.memref_squeeze %dma_wait3A_34 : memref<1x125x80xi32, #tpu.memory_space<hbm>> -> memref<125x80xi32, #tpu.memory_space<hbm>>
      tpu.wait_dma2 semaphore(%run_scoped3A : memref<!tpu.dma_semaphore, #tpu.memory_space<semaphore_mem>>) src(%dma_wait3A_35 : memref<125x80xi32, #tpu.memory_space<hbm>>) dst(%arg7 : memref<125x80xi32, #tpu.memory_space<vmem>>)
      tpu.yield
    }) : () -> ()
    "tpu.region"() ({
      %run_scoped3A = tpu.sem_alloc : memref<!tpu.dma_semaphore, #tpu.memory_space<semaphore_mem>>
      %dma_start3A = arith.constant 0 : i32
      %dma_start3A_22 = arith.constant 0 : i32
      %dma_start3A_23 = tpu.memref_slice %arg3[%add3A, %dma_start3A, %dma_start3A_22] : memref<32x125x80xi32, #tpu.memory_space<hbm>> -> memref<1x125x80xi32, #tpu.memory_space<hbm>>
      %dma_start3A_24 = tpu.memref_squeeze %dma_start3A_23 : memref<1x125x80xi32, #tpu.memory_space<hbm>> -> memref<125x80xi32, #tpu.memory_space<hbm>>
      %dma_start3A_25 = arith.constant 0 : i32
      %dma_start3A_26 = arith.constant 0 : i32
      %dma_start3A_27 = tpu.memref_slice %arg3[%add3A, %dma_start3A_25, %dma_start3A_26] : memref<32x125x80xi32, #tpu.memory_space<hbm>> -> memref<1x125x80xi32, #tpu.memory_space<hbm>>
      %dma_start3A_28 = tpu.memref_squeeze %dma_start3A_27 : memref<1x125x80xi32, #tpu.memory_space<hbm>> -> memref<125x80xi32, #tpu.memory_space<hbm>>
      tpu.enqueue_dma source(%dma_start3A_28 : memref<125x80xi32, #tpu.memory_space<hbm>>) target(%arg8 : memref<125x80xi32, #tpu.memory_space<vmem>>) target_semaphore(%run_scoped3A : memref<!tpu.dma_semaphore, #tpu.memory_space<semaphore_mem>>)
      %dma_wait3A = arith.constant 0 : i32
      %dma_wait3A_29 = arith.constant 0 : i32
      %dma_wait3A_30 = tpu.memref_slice %arg3[%add3A, %dma_wait3A, %dma_wait3A_29] : memref<32x125x80xi32, #tpu.memory_space<hbm>> -> memref<1x125x80xi32, #tpu.memory_space<hbm>>
      %dma_wait3A_31 = tpu.memref_squeeze %dma_wait3A_30 : memref<1x125x80xi32, #tpu.memory_space<hbm>> -> memref<125x80xi32, #tpu.memory_space<hbm>>
      %dma_wait3A_32 = arith.constant 0 : i32
      %dma_wait3A_33 = arith.constant 0 : i32
      %dma_wait3A_34 = tpu.memref_slice %arg3[%add3A, %dma_wait3A_32, %dma_wait3A_33] : memref<32x125x80xi32, #tpu.memory_space<hbm>> -> memref<1x125x80xi32, #tpu.memory_space<hbm>>
      %dma_wait3A_35 = tpu.memref_squeeze %dma_wait3A_34 : memref<1x125x80xi32, #tpu.memory_space<hbm>> -> memref<125x80xi32, #tpu.memory_space<hbm>>
      tpu.wait_dma2 semaphore(%run_scoped3A : memref<!tpu.dma_semaphore, #tpu.memory_space<semaphore_mem>>) src(%dma_wait3A_35 : memref<125x80xi32, #tpu.memory_space<hbm>>) dst(%arg8 : memref<125x80xi32, #tpu.memory_space<vmem>>)
      tpu.yield
    }) : () -> ()
    %barrier3A = arith.constant 0 : index
    tpu.barrier barrier_id(%barrier3A)
    %scan3A = arith.constant 0 : i32
    %scan3A_7 = arith.constant 0 : i32
    %scan3A_8 = arith.constant 125 : i32
    %scan3A_9 = arith.addi %scan3A_7, %scan3A_8 : i32
    %scan3A_10 = arith.constant 1 : i32
    scf.for %scan3A_22 = %scan3A_7 to %scan3A_9 step %scan3A_10  : i32 {
      "tpu.region"() ({
        %run_scoped3A = tpu.sem_alloc : memref<!tpu.dma_semaphore, #tpu.memory_space<semaphore_mem>>
        %dma_start3A = arith.constant 0 : i32
        %dma_start3A_23 = tpu.memref_slice %arg7[%scan3A_22, %dma_start3A] : memref<125x80xi32, #tpu.memory_space<vmem>> -> memref<1x80xi32, #tpu.memory_space<vmem>>
        %dma_start3A_24 = tpu.memref_squeeze %dma_start3A_23 : memref<1x80xi32, #tpu.memory_space<vmem>> -> memref<80xi32, #tpu.memory_space<vmem>>
        %dma_start3A_25 = arith.constant 0 : i32
        %dma_start3A_26 = arith.constant 0 : i32
        %dma_start3A_27 = tpu.memref_slice %arg4[%dma_start3A_25, %dma_start3A_26] : memref<10000x128xf32, #tpu.memory_space<hbm>> -> memref<10000x128xf32, #tpu.memory_space<hbm>>
        tpu.enqueue_indirect_dma source(%dma_start3A_27 : memref<10000x128xf32, #tpu.memory_space<hbm>>) target(%arg9 : memref<80x128xf32, #tpu.memory_space<vmem>>) offsets(%dma_start3A_24 : memref<80xi32, #tpu.memory_space<vmem>>) semaphore(%run_scoped3A : memref<!tpu.dma_semaphore, #tpu.memory_space<semaphore_mem>>)
        %dma_wait3A = arith.constant 0 : i32
        %dma_wait3A_28 = tpu.memref_slice %arg7[%scan3A_22, %dma_wait3A] : memref<125x80xi32, #tpu.memory_space<vmem>> -> memref<1x80xi32, #tpu.memory_space<vmem>>
        %dma_wait3A_29 = tpu.memref_squeeze %dma_wait3A_28 : memref<1x80xi32, #tpu.memory_space<vmem>> -> memref<80xi32, #tpu.memory_space<vmem>>
        %dma_wait3A_30 = arith.constant 0 : i32
        %dma_wait3A_31 = arith.constant 0 : i32
        %dma_wait3A_32 = tpu.memref_slice %arg4[%dma_wait3A_30, %dma_wait3A_31] : memref<10000x128xf32, #tpu.memory_space<hbm>> -> memref<10000x128xf32, #tpu.memory_space<hbm>>
        tpu.wait_indirect_dma semaphore(%run_scoped3A : memref<!tpu.dma_semaphore, #tpu.memory_space<semaphore_mem>>) src(%dma_wait3A_32 : memref<10000x128xf32, #tpu.memory_space<hbm>>) dst(%arg9 : memref<80x128xf32, #tpu.memory_space<vmem>>)
        tpu.yield
      }) : () -> ()
      "tpu.region"() ({
        %run_scoped3A = tpu.sem_alloc : memref<!tpu.dma_semaphore, #tpu.memory_space<semaphore_mem>>
        %dma_start3A = arith.constant 0 : i32
        %dma_start3A_23 = tpu.memref_slice %arg8[%scan3A_22, %dma_start3A] : memref<125x80xi32, #tpu.memory_space<vmem>> -> memref<1x80xi32, #tpu.memory_space<vmem>>
        %dma_start3A_24 = tpu.memref_squeeze %dma_start3A_23 : memref<1x80xi32, #tpu.memory_space<vmem>> -> memref<80xi32, #tpu.memory_space<vmem>>
        %dma_start3A_25 = arith.constant 0 : i32
        %dma_start3A_26 = arith.constant 0 : i32
        %dma_start3A_27 = tpu.memref_slice %arg10[%dma_start3A_25, %dma_start3A_26] : memref<10016x128xf32, #tpu.memory_space<vmem_shared>> -> memref<10016x128xf32, #tpu.memory_space<vmem_shared>>
        tpu.enqueue_indirect_dma source(%arg9 : memref<80x128xf32, #tpu.memory_space<vmem>>) target(%dma_start3A_27 : memref<10016x128xf32, #tpu.memory_space<vmem_shared>>) offsets(%dma_start3A_24 : memref<80xi32, #tpu.memory_space<vmem>>) semaphore(%run_scoped3A : memref<!tpu.dma_semaphore, #tpu.memory_space<semaphore_mem>>) {add = true}
        %dma_wait3A = arith.constant 0 : i32
        %dma_wait3A_28 = tpu.memref_slice %arg8[%scan3A_22, %dma_wait3A] : memref<125x80xi32, #tpu.memory_space<vmem>> -> memref<1x80xi32, #tpu.memory_space<vmem>>
        %dma_wait3A_29 = tpu.memref_squeeze %dma_wait3A_28 : memref<1x80xi32, #tpu.memory_space<vmem>> -> memref<80xi32, #tpu.memory_space<vmem>>
        %dma_wait3A_30 = arith.constant 0 : i32
        %dma_wait3A_31 = arith.constant 0 : i32
        %dma_wait3A_32 = tpu.memref_slice %arg10[%dma_wait3A_30, %dma_wait3A_31] : memref<10016x128xf32, #tpu.memory_space<vmem_shared>> -> memref<10016x128xf32, #tpu.memory_space<vmem_shared>>
        tpu.wait_indirect_dma semaphore(%run_scoped3A : memref<!tpu.dma_semaphore, #tpu.memory_space<semaphore_mem>>) src(%arg9 : memref<80x128xf32, #tpu.memory_space<vmem>>) dst(%dma_wait3A_32 : memref<10016x128xf32, #tpu.memory_space<vmem_shared>>)
        tpu.yield
      }) : () -> ()
    }
    %scan3A_11 = arith.constant 125 : i32
    %barrier3A_12 = arith.constant 0 : index
    tpu.barrier barrier_id(%barrier3A_12)
    %mul3A_13 = arith.constant 624 : i32
    %mul3A_14 = arith.muli %arg1, %mul3A_13 : i32
    %mul3A_15 = arith.constant 624 : i32
    %mul3A_16 = arith.muli %arg1, %mul3A_15 : i32
    "tpu.region"() ({
      %run_scoped3A = tpu.sem_alloc : memref<!tpu.dma_semaphore, #tpu.memory_space<semaphore_mem>>
      %dma_start3A = arith.constant 0 : i32
      %dma_start3A_22 = tpu.memref_slice %arg6[%arg0, %mul3A_16, %dma_start3A] : memref<2x10000x128xf32, #tpu.memory_space<hbm>> -> memref<1x624x128xf32, #tpu.memory_space<hbm>>
      %dma_start3A_23 = tpu.memref_squeeze %dma_start3A_22 : memref<1x624x128xf32, #tpu.memory_space<hbm>> -> memref<624x128xf32, #tpu.memory_space<hbm>>
      %dma_start3A_24 = arith.constant 0 : i32
      %dma_start3A_25 = tpu.memref_slice %arg10[%mul3A_14, %dma_start3A_24] : memref<10016x128xf32, #tpu.memory_space<vmem_shared>> -> memref<624x128xf32, #tpu.memory_space<vmem_shared>>
      tpu.enqueue_dma source(%dma_start3A_25 : memref<624x128xf32, #tpu.memory_space<vmem_shared>>) target(%dma_start3A_23 : memref<624x128xf32, #tpu.memory_space<hbm>>) target_semaphore(%run_scoped3A : memref<!tpu.dma_semaphore, #tpu.memory_space<semaphore_mem>>)
      %dma_wait3A = arith.constant 0 : i32
      %dma_wait3A_26 = tpu.memref_slice %arg6[%arg0, %mul3A_16, %dma_wait3A] : memref<2x10000x128xf32, #tpu.memory_space<hbm>> -> memref<1x624x128xf32, #tpu.memory_space<hbm>>
      %dma_wait3A_27 = tpu.memref_squeeze %dma_wait3A_26 : memref<1x624x128xf32, #tpu.memory_space<hbm>> -> memref<624x128xf32, #tpu.memory_space<hbm>>
      %dma_wait3A_28 = arith.constant 0 : i32
      %dma_wait3A_29 = tpu.memref_slice %arg10[%mul3A_14, %dma_wait3A_28] : memref<10016x128xf32, #tpu.memory_space<vmem_shared>> -> memref<624x128xf32, #tpu.memory_space<vmem_shared>>
      tpu.wait_dma2 semaphore(%run_scoped3A : memref<!tpu.dma_semaphore, #tpu.memory_space<semaphore_mem>>) src(%dma_wait3A_29 : memref<624x128xf32, #tpu.memory_space<vmem_shared>>) dst(%dma_wait3A_27 : memref<624x128xf32, #tpu.memory_space<hbm>>)
      tpu.yield
    }) : () -> ()
    %eq3A_17 = arith.constant 15 : i32
    %eq3A_18 = arith.cmpi eq, %arg1, %eq3A_17 : i32
    %convert_element_type3A_19 = arith.extui %eq3A_18 : i1 to i32
    %cond3A_20 = arith.constant 0 : i32
    %cond3A_21 = arith.cmpi ne, %convert_element_type3A_19, %cond3A_20 : i32
    scf.if %cond3A_21 {
      "tpu.region"() ({
        %run_scoped3A = tpu.sem_alloc : memref<!tpu.dma_semaphore, #tpu.memory_space<semaphore_mem>>
        %dma_start3A = arith.constant 9984 : i32
        %dma_start3A_22 = arith.constant 0 : i32
        %dma_start3A_23 = tpu.memref_slice %arg6[%arg0, %dma_start3A, %dma_start3A_22] : memref<2x10000x128xf32, #tpu.memory_space<hbm>> -> memref<1x16x128xf32, #tpu.memory_space<hbm>>
        %dma_start3A_24 = tpu.memref_squeeze %dma_start3A_23 : memref<1x16x128xf32, #tpu.memory_space<hbm>> -> memref<16x128xf32, #tpu.memory_space<hbm>>
        %dma_start3A_25 = arith.constant 9984 : i32
        %dma_start3A_26 = arith.constant 0 : i32
        %dma_start3A_27 = tpu.memref_slice %arg10[%dma_start3A_25, %dma_start3A_26] : memref<10016x128xf32, #tpu.memory_space<vmem_shared>> -> memref<16x128xf32, #tpu.memory_space<vmem_shared>>
        tpu.enqueue_dma source(%dma_start3A_27 : memref<16x128xf32, #tpu.memory_space<vmem_shared>>) target(%dma_start3A_24 : memref<16x128xf32, #tpu.memory_space<hbm>>) target_semaphore(%run_scoped3A : memref<!tpu.dma_semaphore, #tpu.memory_space<semaphore_mem>>)
        %dma_wait3A = arith.constant 9984 : i32
        %dma_wait3A_28 = arith.constant 0 : i32
        %dma_wait3A_29 = tpu.memref_slice %arg6[%arg0, %dma_wait3A, %dma_wait3A_28] : memref<2x10000x128xf32, #tpu.memory_space<hbm>> -> memref<1x16x128xf32, #tpu.memory_space<hbm>>
        %dma_wait3A_30 = tpu.memref_squeeze %dma_wait3A_29 : memref<1x16x128xf32, #tpu.memory_space<hbm>> -> memref<16x128xf32, #tpu.memory_space<hbm>>
        %dma_wait3A_31 = arith.constant 9984 : i32
        %dma_wait3A_32 = arith.constant 0 : i32
        %dma_wait3A_33 = tpu.memref_slice %arg10[%dma_wait3A_31, %dma_wait3A_32] : memref<10016x128xf32, #tpu.memory_space<vmem_shared>> -> memref<16x128xf32, #tpu.memory_space<vmem_shared>>
        tpu.wait_dma2 semaphore(%run_scoped3A : memref<!tpu.dma_semaphore, #tpu.memory_space<semaphore_mem>>) src(%dma_wait3A_33 : memref<16x128xf32, #tpu.memory_space<vmem_shared>>) dst(%dma_wait3A_30 : memref<16x128xf32, #tpu.memory_space<hbm>>)
        tpu.yield
      }) : () -> ()
    } else {
    }
    return
  }
}

#map = affine_map<(d0, d1) -> (0, 0, 0)>
#map1 = affine_map<(d0, d1) -> (0, 0)>
module attributes {stable_mosaic.version = 14 : i64} {
  func.func @_spmm(%arg0: i32, %arg1: i32, %arg2: memref<32x125x80xi32, #tpu.memory_space<hbm>>, %arg3: memref<32x125x80xi32, #tpu.memory_space<hbm>>, %arg4: memref<10000x128xf32, #tpu.memory_space<hbm>>, %arg5: memref<10016x128xf32, #tpu.memory_space<hbm>>, %arg6: memref<2x10000x128xf32, #tpu.memory_space<hbm>>, %arg7: memref<125x80xi32, #tpu.memory_space<vmem>>, %arg8: memref<125x80xi32, #tpu.memory_space<vmem>>, %arg9: memref<80x128xf32, #tpu.memory_space<vmem>>, %arg10: memref<10016x128xf32, #tpu.memory_space<vmem_shared>>) attributes {dimension_semantics = [#tpu.dimension_semantics<core_parallel>, #tpu.dimension_semantics<subcore_parallel>], iteration_bounds = array<i64: 2, 16>, scalar_prefetch = 0 : i64, scratch_operands = 4 : i64, tpu.core_type = #tpu.core_type<sc_vector_subcore>, window_params = [{transform_indices = #map}, {transform_indices = #map}, {transform_indices = #map1}, {transform_indices = #map1}, {transform_indices = #map}]} {
    %mul3A = arith.constant 2 : i32
    %mul3A_0 = arith.muli %arg1, %mul3A : i32
    %add3A = arith.addi %mul3A_0, %arg0 : i32
    %mul3A_1 = arith.constant 624 : i32
    %mul3A_2 = arith.muli %arg1, %mul3A_1 : i32
    %mul3A_3 = arith.constant 624 : i32
    %mul3A_4 = arith.muli %arg1, %mul3A_3 : i32
    "tpu.region"() ({
      %run_scoped3A = tpu.sem_alloc : memref<!tpu.dma_semaphore, #tpu.memory_space<semaphore_mem>>
      %dma_start3A = arith.constant 0 : i32
      %dma_start3A_22 = tpu.memref_slice %arg10[%mul3A_4, %dma_start3A] : memref<10016x128xf32, #tpu.memory_space<vmem_shared>> -> memref<624x128xf32, #tpu.memory_space<vmem_shared>>
      %dma_start3A_23 = arith.constant 0 : i32
      %dma_start3A_24 = tpu.memref_slice %arg5[%mul3A_2, %dma_start3A_23] : memref<10016x128xf32, #tpu.memory_space<hbm>> -> memref<624x128xf32, #tpu.memory_space<hbm>>
      tpu.enqueue_dma source(%dma_start3A_24 : memref<624x128xf32, #tpu.memory_space<hbm>>) target(%dma_start3A_22 : memref<624x128xf32, #tpu.memory_space<vmem_shared>>) target_semaphore(%run_scoped3A : memref<!tpu.dma_semaphore, #tpu.memory_space<semaphore_mem>>)
      %dma_wait3A = arith.constant 0 : i32
      %dma_wait3A_25 = tpu.memref_slice %arg10[%mul3A_4, %dma_wait3A] : memref<10016x128xf32, #tpu.memory_space<vmem_shared>> -> memref<624x128xf32, #tpu.memory_space<vmem_shared>>
      %dma_wait3A_26 = arith.constant 0 : i32
      %dma_wait3A_27 = tpu.memref_slice %arg5[%mul3A_2, %dma_wait3A_26] : memref<10016x128xf32, #tpu.memory_space<hbm>> -> memref<624x128xf32, #tpu.memory_space<hbm>>
      tpu.wait_dma2 semaphore(%run_scoped3A : memref<!tpu.dma_semaphore, #tpu.memory_space<semaphore_mem>>) src(%dma_wait3A_27 : memref<624x128xf32, #tpu.memory_space<hbm>>) dst(%dma_wait3A_25 : memref<624x128xf32, #tpu.memory_space<vmem_shared>>)
      tpu.yield
    }) : () -> ()
    %eq3A = arith.constant 15 : i32
    %eq3A_5 = arith.cmpi eq, %arg1, %eq3A : i32
    %convert_element_type3A = arith.extui %eq3A_5 : i1 to i32
    %cond3A = arith.constant 0 : i32
    %cond3A_6 = arith.cmpi ne, %convert_element_type3A, %cond3A : i32
    scf.if %cond3A_6 {
      "tpu.region"() ({
        %run_scoped3A = tpu.sem_alloc : memref<!tpu.dma_semaphore, #tpu.memory_space<semaphore_mem>>
        %dma_start3A = arith.constant 9984 : i32
        %dma_start3A_22 = arith.constant 0 : i32
        %dma_start3A_23 = tpu.memref_slice %arg10[%dma_start3A, %dma_start3A_22] : memref<10016x128xf32, #tpu.memory_space<vmem_shared>> -> memref<32x128xf32, #tpu.memory_space<vmem_shared>>
        %dma_start3A_24 = arith.constant 9984 : i32
        %dma_start3A_25 = arith.constant 0 : i32
        %dma_start3A_26 = tpu.memref_slice %arg5[%dma_start3A_24, %dma_start3A_25] : memref<10016x128xf32, #tpu.memory_space<hbm>> -> memref<32x128xf32, #tpu.memory_space<hbm>>
        tpu.enqueue_dma source(%dma_start3A_26 : memref<32x128xf32, #tpu.memory_space<hbm>>) target(%dma_start3A_23 : memref<32x128xf32, #tpu.memory_space<vmem_shared>>) target_semaphore(%run_scoped3A : memref<!tpu.dma_semaphore, #tpu.memory_space<semaphore_mem>>)
        %dma_wait3A = arith.constant 9984 : i32
        %dma_wait3A_27 = arith.constant 0 : i32
        %dma_wait3A_28 = tpu.memref_slice %arg10[%dma_wait3A, %dma_wait3A_27] : memref<10016x128xf32, #tpu.memory_space<vmem_shared>> -> memref<32x128xf32, #tpu.memory_space<vmem_shared>>
        %dma_wait3A_29 = arith.constant 9984 : i32
        %dma_wait3A_30 = arith.constant 0 : i32
        %dma_wait3A_31 = tpu.memref_slice %arg5[%dma_wait3A_29, %dma_wait3A_30] : memref<10016x128xf32, #tpu.memory_space<hbm>> -> memref<32x128xf32, #tpu.memory_space<hbm>>
        tpu.wait_dma2 semaphore(%run_scoped3A : memref<!tpu.dma_semaphore, #tpu.memory_space<semaphore_mem>>) src(%dma_wait3A_31 : memref<32x128xf32, #tpu.memory_space<hbm>>) dst(%dma_wait3A_28 : memref<32x128xf32, #tpu.memory_space<vmem_shared>>)
        tpu.yield
      }) : () -> ()
    } else {
    }
    "tpu.region"() ({
      %run_scoped3A = tpu.sem_alloc : memref<!tpu.dma_semaphore, #tpu.memory_space<semaphore_mem>>
      %dma_start3A = arith.constant 0 : i32
      %dma_start3A_22 = arith.constant 0 : i32
      %dma_start3A_23 = tpu.memref_slice %arg2[%add3A, %dma_start3A, %dma_start3A_22] : memref<32x125x80xi32, #tpu.memory_space<hbm>> -> memref<1x125x80xi32, #tpu.memory_space<hbm>>
      %dma_start3A_24 = tpu.memref_squeeze %dma_start3A_23 : memref<1x125x80xi32, #tpu.memory_space<hbm>> -> memref<125x80xi32, #tpu.memory_space<hbm>>
      %dma_start3A_25 = arith.constant 0 : i32
      %dma_start3A_26 = arith.constant 0 : i32
      %dma_start3A_27 = tpu.memref_slice %arg2[%add3A, %dma_start3A_25, %dma_start3A_26] : memref<32x125x80xi32, #tpu.memory_space<hbm>> -> memref<1x125x80xi32, #tpu.memory_space<hbm>>
      %dma_start3A_28 = tpu.memref_squeeze %dma_start3A_27 : memref<1x125x80xi32, #tpu.memory_space<hbm>> -> memref<125x80xi32, #tpu.memory_space<hbm>>
      tpu.enqueue_dma source(%dma_start3A_28 : memref<125x80xi32, #tpu.memory_space<hbm>>) target(%arg7 : memref<125x80xi32, #tpu.memory_space<vmem>>) target_semaphore(%run_scoped3A : memref<!tpu.dma_semaphore, #tpu.memory_space<semaphore_mem>>)
      %dma_wait3A = arith.constant 0 : i32
      %dma_wait3A_29 = arith.constant 0 : i32
      %dma_wait3A_30 = tpu.memref_slice %arg2[%add3A, %dma_wait3A, %dma_wait3A_29] : memref<32x125x80xi32, #tpu.memory_space<hbm>> -> memref<1x125x80xi32, #tpu.memory_space<hbm>>
      %dma_wait3A_31 = tpu.memref_squeeze %dma_wait3A_30 : memref<1x125x80xi32, #tpu.memory_space<hbm>> -> memref<125x80xi32, #tpu.memory_space<hbm>>
      %dma_wait3A_32 = arith.constant 0 : i32
      %dma_wait3A_33 = arith.constant 0 : i32
      %dma_wait3A_34 = tpu.memref_slice %arg2[%add3A, %dma_wait3A_32, %dma_wait3A_33] : memref<32x125x80xi32, #tpu.memory_space<hbm>> -> memref<1x125x80xi32, #tpu.memory_space<hbm>>
      %dma_wait3A_35 = tpu.memref_squeeze %dma_wait3A_34 : memref<1x125x80xi32, #tpu.memory_space<hbm>> -> memref<125x80xi32, #tpu.memory_space<hbm>>
      tpu.wait_dma2 semaphore(%run_scoped3A : memref<!tpu.dma_semaphore, #tpu.memory_space<semaphore_mem>>) src(%dma_wait3A_35 : memref<125x80xi32, #tpu.memory_space<hbm>>) dst(%arg7 : memref<125x80xi32, #tpu.memory_space<vmem>>)
      tpu.yield
    }) : () -> ()
    "tpu.region"() ({
      %run_scoped3A = tpu.sem_alloc : memref<!tpu.dma_semaphore, #tpu.memory_space<semaphore_mem>>
      %dma_start3A = arith.constant 0 : i32
      %dma_start3A_22 = arith.constant 0 : i32
      %dma_start3A_23 = tpu.memref_slice %arg3[%add3A, %dma_start3A, %dma_start3A_22] : memref<32x125x80xi32, #tpu.memory_space<hbm>> -> memref<1x125x80xi32, #tpu.memory_space<hbm>>
      %dma_start3A_24 = tpu.memref_squeeze %dma_start3A_23 : memref<1x125x80xi32, #tpu.memory_space<hbm>> -> memref<125x80xi32, #tpu.memory_space<hbm>>
      %dma_start3A_25 = arith.constant 0 : i32
      %dma_start3A_26 = arith.constant 0 : i32
      %dma_start3A_27 = tpu.memref_slice %arg3[%add3A, %dma_start3A_25, %dma_start3A_26] : memref<32x125x80xi32, #tpu.memory_space<hbm>> -> memref<1x125x80xi32, #tpu.memory_space<hbm>>
      %dma_start3A_28 = tpu.memref_squeeze %dma_start3A_27 : memref<1x125x80xi32, #tpu.memory_space<hbm>> -> memref<125x80xi32, #tpu.memory_space<hbm>>
      tpu.enqueue_dma source(%dma_start3A_28 : memref<125x80xi32, #tpu.memory_space<hbm>>) target(%arg8 : memref<125x80xi32, #tpu.memory_space<vmem>>) target_semaphore(%run_scoped3A : memref<!tpu.dma_semaphore, #tpu.memory_space<semaphore_mem>>)
      %dma_wait3A = arith.constant 0 : i32
      %dma_wait3A_29 = arith.constant 0 : i32
      %dma_wait3A_30 = tpu.memref_slice %arg3[%add3A, %dma_wait3A, %dma_wait3A_29] : memref<32x125x80xi32, #tpu.memory_space<hbm>> -> memref<1x125x80xi32, #tpu.memory_space<hbm>>
      %dma_wait3A_31 = tpu.memref_squeeze %dma_wait3A_30 : memref<1x125x80xi32, #tpu.memory_space<hbm>> -> memref<125x80xi32, #tpu.memory_space<hbm>>
      %dma_wait3A_32 = arith.constant 0 : i32
      %dma_wait3A_33 = arith.constant 0 : i32
      %dma_wait3A_34 = tpu.memref_slice %arg3[%add3A, %dma_wait3A_32, %dma_wait3A_33] : memref<32x125x80xi32, #tpu.memory_space<hbm>> -> memref<1x125x80xi32, #tpu.memory_space<hbm>>
      %dma_wait3A_35 = tpu.memref_squeeze %dma_wait3A_34 : memref<1x125x80xi32, #tpu.memory_space<hbm>> -> memref<125x80xi32, #tpu.memory_space<hbm>>
      tpu.wait_dma2 semaphore(%run_scoped3A : memref<!tpu.dma_semaphore, #tpu.memory_space<semaphore_mem>>) src(%dma_wait3A_35 : memref<125x80xi32, #tpu.memory_space<hbm>>) dst(%arg8 : memref<125x80xi32, #tpu.memory_space<vmem>>)
      tpu.yield
    }) : () -> ()
    %barrier3A = arith.constant 0 : index
    tpu.barrier barrier_id(%barrier3A)
    %scan3A = arith.constant 0 : i32
    %scan3A_7 = arith.constant 0 : i32
    %scan3A_8 = arith.constant 125 : i32
    %scan3A_9 = arith.addi %scan3A_7, %scan3A_8 : i32
    %scan3A_10 = arith.constant 1 : i32
    scf.for %scan3A_22 = %scan3A_7 to %scan3A_9 step %scan3A_10  : i32 {
      "tpu.region"() ({
        %run_scoped3A = tpu.sem_alloc : memref<!tpu.dma_semaphore, #tpu.memory_space<semaphore_mem>>
        %dma_start3A = arith.constant 0 : i32
        %dma_start3A_23 = tpu.memref_slice %arg7[%scan3A_22, %dma_start3A] : memref<125x80xi32, #tpu.memory_space<vmem>> -> memref<1x80xi32, #tpu.memory_space<vmem>>
        %dma_start3A_24 = tpu.memref_squeeze %dma_start3A_23 : memref<1x80xi32, #tpu.memory_space<vmem>> -> memref<80xi32, #tpu.memory_space<vmem>>
        %dma_start3A_25 = arith.constant 0 : i32
        %dma_start3A_26 = arith.constant 0 : i32
        %dma_start3A_27 = tpu.memref_slice %arg4[%dma_start3A_25, %dma_start3A_26] : memref<10000x128xf32, #tpu.memory_space<hbm>> -> memref<10000x128xf32, #tpu.memory_space<hbm>>
        tpu.enqueue_indirect_dma source(%dma_start3A_27 : memref<10000x128xf32, #tpu.memory_space<hbm>>) target(%arg9 : memref<80x128xf32, #tpu.memory_space<vmem>>) offsets(%dma_start3A_24 : memref<80xi32, #tpu.memory_space<vmem>>) semaphore(%run_scoped3A : memref<!tpu.dma_semaphore, #tpu.memory_space<semaphore_mem>>)
        %dma_wait3A = arith.constant 0 : i32
        %dma_wait3A_28 = tpu.memref_slice %arg7[%scan3A_22, %dma_wait3A] : memref<125x80xi32, #tpu.memory_space<vmem>> -> memref<1x80xi32, #tpu.memory_space<vmem>>
        %dma_wait3A_29 = tpu.memref_squeeze %dma_wait3A_28 : memref<1x80xi32, #tpu.memory_space<vmem>> -> memref<80xi32, #tpu.memory_space<vmem>>
        %dma_wait3A_30 = arith.constant 0 : i32
        %dma_wait3A_31 = arith.constant 0 : i32
        %dma_wait3A_32 = tpu.memref_slice %arg4[%dma_wait3A_30, %dma_wait3A_31] : memref<10000x128xf32, #tpu.memory_space<hbm>> -> memref<10000x128xf32, #tpu.memory_space<hbm>>
        tpu.wait_indirect_dma semaphore(%run_scoped3A : memref<!tpu.dma_semaphore, #tpu.memory_space<semaphore_mem>>) src(%dma_wait3A_32 : memref<10000x128xf32, #tpu.memory_space<hbm>>) dst(%arg9 : memref<80x128xf32, #tpu.memory_space<vmem>>)
        tpu.yield
      }) : () -> ()
      "tpu.region"() ({
        %run_scoped3A = tpu.sem_alloc : memref<!tpu.dma_semaphore, #tpu.memory_space<semaphore_mem>>
        %dma_start3A = arith.constant 0 : i32
        %dma_start3A_23 = tpu.memref_slice %arg8[%scan3A_22, %dma_start3A] : memref<125x80xi32, #tpu.memory_space<vmem>> -> memref<1x80xi32, #tpu.memory_space<vmem>>
        %dma_start3A_24 = tpu.memref_squeeze %dma_start3A_23 : memref<1x80xi32, #tpu.memory_space<vmem>> -> memref<80xi32, #tpu.memory_space<vmem>>
        %dma_start3A_25 = arith.constant 0 : i32
        %dma_start3A_26 = arith.constant 0 : i32
        %dma_start3A_27 = tpu.memref_slice %arg10[%dma_start3A_25, %dma_start3A_26] : memref<10016x128xf32, #tpu.memory_space<vmem_shared>> -> memref<10016x128xf32, #tpu.memory_space<vmem_shared>>
        tpu.enqueue_indirect_dma source(%arg9 : memref<80x128xf32, #tpu.memory_space<vmem>>) target(%dma_start3A_27 : memref<10016x128xf32, #tpu.memory_space<vmem_shared>>) offsets(%dma_start3A_24 : memref<80xi32, #tpu.memory_space<vmem>>) semaphore(%run_scoped3A : memref<!tpu.dma_semaphore, #tpu.memory_space<semaphore_mem>>) {add = true}
        %dma_wait3A = arith.constant 0 : i32
        %dma_wait3A_28 = tpu.memref_slice %arg8[%scan3A_22, %dma_wait3A] : memref<125x80xi32, #tpu.memory_space<vmem>> -> memref<1x80xi32, #tpu.memory_space<vmem>>
        %dma_wait3A_29 = tpu.memref_squeeze %dma_wait3A_28 : memref<1x80xi32, #tpu.memory_space<vmem>> -> memref<80xi32, #tpu.memory_space<vmem>>
        %dma_wait3A_30 = arith.constant 0 : i32
        %dma_wait3A_31 = arith.constant 0 : i32
        %dma_wait3A_32 = tpu.memref_slice %arg10[%dma_wait3A_30, %dma_wait3A_31] : memref<10016x128xf32, #tpu.memory_space<vmem_shared>> -> memref<10016x128xf32, #tpu.memory_space<vmem_shared>>
        tpu.wait_indirect_dma semaphore(%run_scoped3A : memref<!tpu.dma_semaphore, #tpu.memory_space<semaphore_mem>>) src(%arg9 : memref<80x128xf32, #tpu.memory_space<vmem>>) dst(%dma_wait3A_32 : memref<10016x128xf32, #tpu.memory_space<vmem_shared>>)
        tpu.yield
      }) : () -> ()
    }
    %scan3A_11 = arith.constant 125 : i32
    %barrier3A_12 = arith.constant 0 : index
    tpu.barrier barrier_id(%barrier3A_12)
    %mul3A_13 = arith.constant 624 : i32
    %mul3A_14 = arith.muli %arg1, %mul3A_13 : i32
    %mul3A_15 = arith.constant 624 : i32
    %mul3A_16 = arith.muli %arg1, %mul3A_15 : i32
    "tpu.region"() ({
      %run_scoped3A = tpu.sem_alloc : memref<!tpu.dma_semaphore, #tpu.memory_space<semaphore_mem>>
      %dma_start3A = arith.constant 0 : i32
      %dma_start3A_22 = tpu.memref_slice %arg6[%arg0, %mul3A_16, %dma_start3A] : memref<2x10000x128xf32, #tpu.memory_space<hbm>> -> memref<1x624x128xf32, #tpu.memory_space<hbm>>
      %dma_start3A_23 = tpu.memref_squeeze %dma_start3A_22 : memref<1x624x128xf32, #tpu.memory_space<hbm>> -> memref<624x128xf32, #tpu.memory_space<hbm>>
      %dma_start3A_24 = arith.constant 0 : i32
      %dma_start3A_25 = tpu.memref_slice %arg10[%mul3A_14, %dma_start3A_24] : memref<10016x128xf32, #tpu.memory_space<vmem_shared>> -> memref<624x128xf32, #tpu.memory_space<vmem_shared>>
      tpu.enqueue_dma source(%dma_start3A_25 : memref<624x128xf32, #tpu.memory_space<vmem_shared>>) target(%dma_start3A_23 : memref<624x128xf32, #tpu.memory_space<hbm>>) target_semaphore(%run_scoped3A : memref<!tpu.dma_semaphore, #tpu.memory_space<semaphore_mem>>)
      %dma_wait3A = arith.constant 0 : i32
      %dma_wait3A_26 = tpu.memref_slice %arg6[%arg0, %mul3A_16, %dma_wait3A] : memref<2x10000x128xf32, #tpu.memory_space<hbm>> -> memref<1x624x128xf32, #tpu.memory_space<hbm>>
      %dma_wait3A_27 = tpu.memref_squeeze %dma_wait3A_26 : memref<1x624x128xf32, #tpu.memory_space<hbm>> -> memref<624x128xf32, #tpu.memory_space<hbm>>
      %dma_wait3A_28 = arith.constant 0 : i32
      %dma_wait3A_29 = tpu.memref_slice %arg10[%mul3A_14, %dma_wait3A_28] : memref<10016x128xf32, #tpu.memory_space<vmem_shared>> -> memref<624x128xf32, #tpu.memory_space<vmem_shared>>
      tpu.wait_dma2 semaphore(%run_scoped3A : memref<!tpu.dma_semaphore, #tpu.memory_space<semaphore_mem>>) src(%dma_wait3A_29 : memref<624x128xf32, #tpu.memory_space<vmem_shared>>) dst(%dma_wait3A_27 : memref<624x128xf32, #tpu.memory_space<hbm>>)
      tpu.yield
    }) : () -> ()
    %eq3A_17 = arith.constant 15 : i32
    %eq3A_18 = arith.cmpi eq, %arg1, %eq3A_17 : i32
    %convert_element_type3A_19 = arith.extui %eq3A_18 : i1 to i32
    %cond3A_20 = arith.constant 0 : i32
    %cond3A_21 = arith.cmpi ne, %convert_element_type3A_19, %cond3A_20 : i32
    scf.if %cond3A_21 {
      "tpu.region"() ({
        %run_scoped3A = tpu.sem_alloc : memref<!tpu.dma_semaphore, #tpu.memory_space<semaphore_mem>>
        %dma_start3A = arith.constant 9984 : i32
        %dma_start3A_22 = arith.constant 0 : i32
        %dma_start3A_23 = tpu.memref_slice %arg6[%arg0, %dma_start3A, %dma_start3A_22] : memref<2x10000x128xf32, #tpu.memory_space<hbm>> -> memref<1x16x128xf32, #tpu.memory_space<hbm>>
        %dma_start3A_24 = tpu.memref_squeeze %dma_start3A_23 : memref<1x16x128xf32, #tpu.memory_space<hbm>> -> memref<16x128xf32, #tpu.memory_space<hbm>>
        %dma_start3A_25 = arith.constant 9984 : i32
        %dma_start3A_26 = arith.constant 0 : i32
        %dma_start3A_27 = tpu.memref_slice %arg10[%dma_start3A_25, %dma_start3A_26] : memref<10016x128xf32, #tpu.memory_space<vmem_shared>> -> memref<16x128xf32, #tpu.memory_space<vmem_shared>>
        tpu.enqueue_dma source(%dma_start3A_27 : memref<16x128xf32, #tpu.memory_space<vmem_shared>>) target(%dma_start3A_24 : memref<16x128xf32, #tpu.memory_space<hbm>>) target_semaphore(%run_scoped3A : memref<!tpu.dma_semaphore, #tpu.memory_space<semaphore_mem>>)
        %dma_wait3A = arith.constant 9984 : i32
        %dma_wait3A_28 = arith.constant 0 : i32
        %dma_wait3A_29 = tpu.memref_slice %arg6[%arg0, %dma_wait3A, %dma_wait3A_28] : memref<2x10000x128xf32, #tpu.memory_space<hbm>> -> memref<1x16x128xf32, #tpu.memory_space<hbm>>
        %dma_wait3A_30 = tpu.memref_squeeze %dma_wait3A_29 : memref<1x16x128xf32, #tpu.memory_space<hbm>> -> memref<16x128xf32, #tpu.memory_space<hbm>>
        %dma_wait3A_31 = arith.constant 9984 : i32
        %dma_wait3A_32 = arith.constant 0 : i32
        %dma_wait3A_33 = tpu.memref_slice %arg10[%dma_wait3A_31, %dma_wait3A_32] : memref<10016x128xf32, #tpu.memory_space<vmem_shared>> -> memref<16x128xf32, #tpu.memory_space<vmem_shared>>
        tpu.wait_dma2 semaphore(%run_scoped3A : memref<!tpu.dma_semaphore, #tpu.memory_space<semaphore_mem>>) src(%dma_wait3A_33 : memref<16x128xf32, #tpu.memory_space<vmem_shared>>) dst(%dma_wait3A_30 : memref<16x128xf32, #tpu.memory_space<hbm>>)
        tpu.yield
      }) : () -> ()
    } else {
    }
    return
  }
}

#map = affine_map<(d0, d1) -> (0)>
#map1 = affine_map<(d0, d1) -> (0, 0)>
module attributes {stable_mosaic.version = 14 : i64} {
  func.func @_build_c(%arg0: i32, %arg1: i32, %arg2: memref<323584xi32, #tpu.memory_space<hbm>>, %arg3: memref<323584xi32, #tpu.memory_space<hbm>>, %arg4: memref<1310720xf32, #tpu.memory_space<hbm>>, %arg5: memref<2x1310720xf32, #tpu.memory_space<hbm>>, %arg6: memref<20224xi32, #tpu.memory_space<vmem>>, %arg7: memref<20224xi32, #tpu.memory_space<vmem>>, %arg8: memref<1x128xi32, #tpu.memory_space<vmem>>, %arg9: memref<128xf32, #tpu.memory_space<vmem>>, %arg10: memref<1310720xf32, #tpu.memory_space<vmem_shared>>) attributes {dimension_semantics = [#tpu.dimension_semantics<core_parallel>, #tpu.dimension_semantics<subcore_parallel>], iteration_bounds = array<i64: 2, 16>, scalar_prefetch = 0 : i64, scratch_operands = 5 : i64, tpu.core_type = #tpu.core_type<sc_vector_subcore>, window_params = [{transform_indices = #map}, {transform_indices = #map}, {transform_indices = #map}, {transform_indices = #map1}]} {
    %mul3A = arith.constant 5000 : i32
    %mul3A_0 = arith.muli %arg0, %mul3A : i32
    %mul3A_1 = arith.constant 81920 : i32
    %mul3A_2 = arith.muli %arg1, %mul3A_1 : i32
    %mul3A_3 = arith.constant 81920 : i32
    %mul3A_4 = arith.muli %arg1, %mul3A_3 : i32
    "tpu.region"() ({
      %run_scoped3A = tpu.sem_alloc : memref<!tpu.dma_semaphore, #tpu.memory_space<semaphore_mem>>
      %dma_start3A = tpu.memref_slice %arg10[%mul3A_4] : memref<1310720xf32, #tpu.memory_space<vmem_shared>> -> memref<81920xf32, #tpu.memory_space<vmem_shared>>
      %dma_start3A_65 = tpu.memref_slice %arg4[%mul3A_2] : memref<1310720xf32, #tpu.memory_space<hbm>> -> memref<81920xf32, #tpu.memory_space<hbm>>
      tpu.enqueue_dma source(%dma_start3A_65 : memref<81920xf32, #tpu.memory_space<hbm>>) target(%dma_start3A : memref<81920xf32, #tpu.memory_space<vmem_shared>>) target_semaphore(%run_scoped3A : memref<!tpu.dma_semaphore, #tpu.memory_space<semaphore_mem>>)
      %dma_wait3A = tpu.memref_slice %arg10[%mul3A_4] : memref<1310720xf32, #tpu.memory_space<vmem_shared>> -> memref<81920xf32, #tpu.memory_space<vmem_shared>>
      %dma_wait3A_66 = tpu.memref_slice %arg4[%mul3A_2] : memref<1310720xf32, #tpu.memory_space<hbm>> -> memref<81920xf32, #tpu.memory_space<hbm>>
      tpu.wait_dma2 semaphore(%run_scoped3A : memref<!tpu.dma_semaphore, #tpu.memory_space<semaphore_mem>>) src(%dma_wait3A_66 : memref<81920xf32, #tpu.memory_space<hbm>>) dst(%dma_wait3A : memref<81920xf32, #tpu.memory_space<vmem_shared>>)
      tpu.yield
    }) : () -> ()
    %mul3A_5 = arith.constant 20224 : i32
    %mul3A_6 = arith.muli %arg1, %mul3A_5 : i32
    "tpu.region"() ({
      %run_scoped3A = tpu.sem_alloc : memref<!tpu.dma_semaphore, #tpu.memory_space<semaphore_mem>>
      %dma_start3A = tpu.memref_slice %arg2[%mul3A_6] : memref<323584xi32, #tpu.memory_space<hbm>> -> memref<20224xi32, #tpu.memory_space<hbm>>
      %dma_start3A_65 = tpu.memref_slice %arg2[%mul3A_6] : memref<323584xi32, #tpu.memory_space<hbm>> -> memref<20224xi32, #tpu.memory_space<hbm>>
      tpu.enqueue_dma source(%dma_start3A_65 : memref<20224xi32, #tpu.memory_space<hbm>>) target(%arg6 : memref<20224xi32, #tpu.memory_space<vmem>>) target_semaphore(%run_scoped3A : memref<!tpu.dma_semaphore, #tpu.memory_space<semaphore_mem>>)
      %dma_wait3A = tpu.memref_slice %arg2[%mul3A_6] : memref<323584xi32, #tpu.memory_space<hbm>> -> memref<20224xi32, #tpu.memory_space<hbm>>
      %dma_wait3A_66 = tpu.memref_slice %arg2[%mul3A_6] : memref<323584xi32, #tpu.memory_space<hbm>> -> memref<20224xi32, #tpu.memory_space<hbm>>
      tpu.wait_dma2 semaphore(%run_scoped3A : memref<!tpu.dma_semaphore, #tpu.memory_space<semaphore_mem>>) src(%dma_wait3A_66 : memref<20224xi32, #tpu.memory_space<hbm>>) dst(%arg6 : memref<20224xi32, #tpu.memory_space<vmem>>)
      tpu.yield
    }) : () -> ()
    %mul3A_7 = arith.constant 20224 : i32
    %mul3A_8 = arith.muli %arg1, %mul3A_7 : i32
    "tpu.region"() ({
      %run_scoped3A = tpu.sem_alloc : memref<!tpu.dma_semaphore, #tpu.memory_space<semaphore_mem>>
      %dma_start3A = tpu.memref_slice %arg3[%mul3A_8] : memref<323584xi32, #tpu.memory_space<hbm>> -> memref<20224xi32, #tpu.memory_space<hbm>>
      %dma_start3A_65 = tpu.memref_slice %arg3[%mul3A_8] : memref<323584xi32, #tpu.memory_space<hbm>> -> memref<20224xi32, #tpu.memory_space<hbm>>
      tpu.enqueue_dma source(%dma_start3A_65 : memref<20224xi32, #tpu.memory_space<hbm>>) target(%arg7 : memref<20224xi32, #tpu.memory_space<vmem>>) target_semaphore(%run_scoped3A : memref<!tpu.dma_semaphore, #tpu.memory_space<semaphore_mem>>)
      %dma_wait3A = tpu.memref_slice %arg3[%mul3A_8] : memref<323584xi32, #tpu.memory_space<hbm>> -> memref<20224xi32, #tpu.memory_space<hbm>>
      %dma_wait3A_66 = tpu.memref_slice %arg3[%mul3A_8] : memref<323584xi32, #tpu.memory_space<hbm>> -> memref<20224xi32, #tpu.memory_space<hbm>>
      tpu.wait_dma2 semaphore(%run_scoped3A : memref<!tpu.dma_semaphore, #tpu.memory_space<semaphore_mem>>) src(%dma_wait3A_66 : memref<20224xi32, #tpu.memory_space<hbm>>) dst(%arg7 : memref<20224xi32, #tpu.memory_space<vmem>>)
      tpu.yield
    }) : () -> ()
    %broadcast_in_dim3A = arith.constant 1.000000e+00 : f32
    %broadcast_in_dim3A_9 = vector.broadcast %broadcast_in_dim3A : f32 to vector<16xf32>
    %swap3A = arith.constant 0 : index
    %swap3A_10 = tpu.vector_load %arg9[%swap3A] {strides = array<i32>} : memref<128xf32, #tpu.memory_space<vmem>>, vector<16xf32>,
    %swap3A_11 = vector.shape_cast %swap3A_10 : vector<16xf32> to vector<16xf32>
    %swap3A_12 = vector.shape_cast %broadcast_in_dim3A_9 : vector<16xf32> to vector<16xf32>
    tpu.vector_store %arg9[%swap3A], %swap3A_12 {strides = array<i32>} : memref<128xf32, #tpu.memory_space<vmem>>, vector<16xf32>,
    %broadcast_in_dim3A_13 = arith.constant 1.000000e+00 : f32
    %broadcast_in_dim3A_14 = vector.broadcast %broadcast_in_dim3A_13 : f32 to vector<16xf32>
    %swap3A_15 = arith.constant 16 : index
    %swap3A_16 = tpu.vector_load %arg9[%swap3A_15] {strides = array<i32>} : memref<128xf32, #tpu.memory_space<vmem>>, vector<16xf32>,
    %swap3A_17 = vector.shape_cast %swap3A_16 : vector<16xf32> to vector<16xf32>
    %swap3A_18 = vector.shape_cast %broadcast_in_dim3A_14 : vector<16xf32> to vector<16xf32>
    tpu.vector_store %arg9[%swap3A_15], %swap3A_18 {strides = array<i32>} : memref<128xf32, #tpu.memory_space<vmem>>, vector<16xf32>,
    %broadcast_in_dim3A_19 = arith.constant 1.000000e+00 : f32
    %broadcast_in_dim3A_20 = vector.broadcast %broadcast_in_dim3A_19 : f32 to vector<16xf32>
    %swap3A_21 = arith.constant 32 : index
    %swap3A_22 = tpu.vector_load %arg9[%swap3A_21] {strides = array<i32>} : memref<128xf32, #tpu.memory_space<vmem>>, vector<16xf32>,
    %swap3A_23 = vector.shape_cast %swap3A_22 : vector<16xf32> to vector<16xf32>
    %swap3A_24 = vector.shape_cast %broadcast_in_dim3A_20 : vector<16xf32> to vector<16xf32>
    tpu.vector_store %arg9[%swap3A_21], %swap3A_24 {strides = array<i32>} : memref<128xf32, #tpu.memory_space<vmem>>, vector<16xf32>,
    %broadcast_in_dim3A_25 = arith.constant 1.000000e+00 : f32
    %broadcast_in_dim3A_26 = vector.broadcast %broadcast_in_dim3A_25 : f32 to vector<16xf32>
    %swap3A_27 = arith.constant 48 : index
    %swap3A_28 = tpu.vector_load %arg9[%swap3A_27] {strides = array<i32>} : memref<128xf32, #tpu.memory_space<vmem>>, vector<16xf32>,
    %swap3A_29 = vector.shape_cast %swap3A_28 : vector<16xf32> to vector<16xf32>
    %swap3A_30 = vector.shape_cast %broadcast_in_dim3A_26 : vector<16xf32> to vector<16xf32>
    tpu.vector_store %arg9[%swap3A_27], %swap3A_30 {strides = array<i32>} : memref<128xf32, #tpu.memory_space<vmem>>, vector<16xf32>,
    %broadcast_in_dim3A_31 = arith.constant 1.000000e+00 : f32
    %broadcast_in_dim3A_32 = vector.broadcast %broadcast_in_dim3A_31 : f32 to vector<16xf32>
    %swap3A_33 = arith.constant 64 : index
    %swap3A_34 = tpu.vector_load %arg9[%swap3A_33] {strides = array<i32>} : memref<128xf32, #tpu.memory_space<vmem>>, vector<16xf32>,
    %swap3A_35 = vector.shape_cast %swap3A_34 : vector<16xf32> to vector<16xf32>
    %swap3A_36 = vector.shape_cast %broadcast_in_dim3A_32 : vector<16xf32> to vector<16xf32>
    tpu.vector_store %arg9[%swap3A_33], %swap3A_36 {strides = array<i32>} : memref<128xf32, #tpu.memory_space<vmem>>, vector<16xf32>,
    %broadcast_in_dim3A_37 = arith.constant 1.000000e+00 : f32
    %broadcast_in_dim3A_38 = vector.broadcast %broadcast_in_dim3A_37 : f32 to vector<16xf32>
    %swap3A_39 = arith.constant 80 : index
    %swap3A_40 = tpu.vector_load %arg9[%swap3A_39] {strides = array<i32>} : memref<128xf32, #tpu.memory_space<vmem>>, vector<16xf32>,
    %swap3A_41 = vector.shape_cast %swap3A_40 : vector<16xf32> to vector<16xf32>
    %swap3A_42 = vector.shape_cast %broadcast_in_dim3A_38 : vector<16xf32> to vector<16xf32>
    tpu.vector_store %arg9[%swap3A_39], %swap3A_42 {strides = array<i32>} : memref<128xf32, #tpu.memory_space<vmem>>, vector<16xf32>,
    %broadcast_in_dim3A_43 = arith.constant 1.000000e+00 : f32
    %broadcast_in_dim3A_44 = vector.broadcast %broadcast_in_dim3A_43 : f32 to vector<16xf32>
    %swap3A_45 = arith.constant 96 : index
    %swap3A_46 = tpu.vector_load %arg9[%swap3A_45] {strides = array<i32>} : memref<128xf32, #tpu.memory_space<vmem>>, vector<16xf32>,
    %swap3A_47 = vector.shape_cast %swap3A_46 : vector<16xf32> to vector<16xf32>
    %swap3A_48 = vector.shape_cast %broadcast_in_dim3A_44 : vector<16xf32> to vector<16xf32>
    tpu.vector_store %arg9[%swap3A_45], %swap3A_48 {strides = array<i32>} : memref<128xf32, #tpu.memory_space<vmem>>, vector<16xf32>,
    %broadcast_in_dim3A_49 = arith.constant 1.000000e+00 : f32
    %broadcast_in_dim3A_50 = vector.broadcast %broadcast_in_dim3A_49 : f32 to vector<16xf32>
    %swap3A_51 = arith.constant 112 : index
    %swap3A_52 = tpu.vector_load %arg9[%swap3A_51] {strides = array<i32>} : memref<128xf32, #tpu.memory_space<vmem>>, vector<16xf32>,
    %swap3A_53 = vector.shape_cast %swap3A_52 : vector<16xf32> to vector<16xf32>
    %swap3A_54 = vector.shape_cast %broadcast_in_dim3A_50 : vector<16xf32> to vector<16xf32>
    tpu.vector_store %arg9[%swap3A_51], %swap3A_54 {strides = array<i32>} : memref<128xf32, #tpu.memory_space<vmem>>, vector<16xf32>,
    %barrier3A = arith.constant 0 : index
    tpu.barrier barrier_id(%barrier3A)
    %scan3A = arith.constant 0 : i32
    %scan3A_55 = arith.constant 0 : i32
    %scan3A_56 = arith.constant 158 : i32
    %scan3A_57 = arith.addi %scan3A_55, %scan3A_56 : i32
    %scan3A_58 = arith.constant 1 : i32
    scf.for %scan3A_65 = %scan3A_55 to %scan3A_57 step %scan3A_58  : i32 {
      %mul3A_66 = arith.constant 128 : i32
      %mul3A_67 = arith.muli %scan3A_65, %mul3A_66 : i32
      %add3A = arith.constant 0 : i32
      %add3A_68 = arith.addi %mul3A_67, %add3A : i32
      %get3A = arith.index_cast %add3A_68 : i32 to index
      %get3A_69 = tpu.vector_load %arg6[%get3A] {strides = array<i32>} : memref<20224xi32, #tpu.memory_space<vmem>>, vector<16xi32>,
      %get3A_70 = vector.shape_cast %get3A_69 : vector<16xi32> to vector<16xi32>
      %mul3A_71 = arith.constant 128 : i32
      %mul3A_72 = arith.muli %scan3A_65, %mul3A_71 : i32
      %add3A_73 = arith.constant 0 : i32
      %add3A_74 = arith.addi %mul3A_72, %add3A_73 : i32
      %get3A_75 = arith.index_cast %add3A_74 : i32 to index
      %get3A_76 = tpu.vector_load %arg7[%get3A_75] {strides = array<i32>} : memref<20224xi32, #tpu.memory_space<vmem>>, vector<16xi32>,
      %get3A_77 = vector.shape_cast %get3A_76 : vector<16xi32> to vector<16xi32>
      %ge3A = vector.broadcast %mul3A_0 : i32 to vector<16xi32>
      %ge3A_78 = arith.cmpi sge, %get3A_70, %ge3A : vector<16xi32>
      %add3A_79 = arith.constant 5000 : i32
      %add3A_80 = arith.addi %mul3A_0, %add3A_79 : i32
      %lt3A = vector.broadcast %add3A_80 : i32 to vector<16xi32>
      %lt3A_81 = arith.cmpi slt, %get3A_70, %lt3A : vector<16xi32>
      %and3A = arith.andi %ge3A_78, %lt3A_81 : vector<16xi1>
      %sub3A = vector.broadcast %mul3A_0 : i32 to vector<16xi32>
      %sub3A_82 = arith.subi %get3A_70, %sub3A : vector<16xi32>
      %mul3A_83 = arith.constant 256 : i32
      %mul3A_84 = vector.broadcast %mul3A_83 : i32 to vector<16xi32>
      %mul3A_85 = arith.muli %sub3A_82, %mul3A_84 : vector<16xi32>
      %add3A_86 = arith.addi %mul3A_85, %get3A_77 : vector<16xi32>
      %jit3A = arith.constant 1280000 : i32
      %broadcast_in_dim3A_87 = vector.broadcast %jit3A : i32 to vector<16xi32>
      %select_n3A = arith.select %and3A, %add3A_86, %broadcast_in_dim3A_87 : vector<16xi1>, vector<16xi32>
      %swap3A_88 = arith.constant 0 : i32
      %swap3A_89 = arith.index_cast %swap3A_88 : i32 to index
      %swap3A_90 = arith.constant 0 : index
      %swap3A_91 = tpu.vector_load %arg8[%swap3A_89, %swap3A_90] {strides = array<i32>} : memref<1x128xi32, #tpu.memory_space<vmem>>, vector<1x16xi32>,
      %swap3A_92 = vector.shape_cast %swap3A_91 : vector<1x16xi32> to vector<16xi32>
      %swap3A_93 = vector.shape_cast %select_n3A : vector<16xi32> to vector<1x16xi32>
      tpu.vector_store %arg8[%swap3A_89, %swap3A_90], %swap3A_93 {strides = array<i32>} : memref<1x128xi32, #tpu.memory_space<vmem>>, vector<1x16xi32>,
      %mul3A_94 = arith.constant 128 : i32
      %mul3A_95 = arith.muli %scan3A_65, %mul3A_94 : i32
      %add3A_96 = arith.constant 16 : i32
      %add3A_97 = arith.addi %mul3A_95, %add3A_96 : i32
      %get3A_98 = arith.index_cast %add3A_97 : i32 to index
      %get3A_99 = tpu.vector_load %arg6[%get3A_98] {strides = array<i32>} : memref<20224xi32, #tpu.memory_space<vmem>>, vector<16xi32>,
      %get3A_100 = vector.shape_cast %get3A_99 : vector<16xi32> to vector<16xi32>
      %mul3A_101 = arith.constant 128 : i32
      %mul3A_102 = arith.muli %scan3A_65, %mul3A_101 : i32
      %add3A_103 = arith.constant 16 : i32
      %add3A_104 = arith.addi %mul3A_102, %add3A_103 : i32
      %get3A_105 = arith.index_cast %add3A_104 : i32 to index
      %get3A_106 = tpu.vector_load %arg7[%get3A_105] {strides = array<i32>} : memref<20224xi32, #tpu.memory_space<vmem>>, vector<16xi32>,
      %get3A_107 = vector.shape_cast %get3A_106 : vector<16xi32> to vector<16xi32>
      %ge3A_108 = vector.broadcast %mul3A_0 : i32 to vector<16xi32>
      %ge3A_109 = arith.cmpi sge, %get3A_100, %ge3A_108 : vector<16xi32>
      %add3A_110 = arith.constant 5000 : i32
      %add3A_111 = arith.addi %mul3A_0, %add3A_110 : i32
      %lt3A_112 = vector.broadcast %add3A_111 : i32 to vector<16xi32>
      %lt3A_113 = arith.cmpi slt, %get3A_100, %lt3A_112 : vector<16xi32>
      %and3A_114 = arith.andi %ge3A_109, %lt3A_113 : vector<16xi1>
      %sub3A_115 = vector.broadcast %mul3A_0 : i32 to vector<16xi32>
      %sub3A_116 = arith.subi %get3A_100, %sub3A_115 : vector<16xi32>
      %mul3A_117 = arith.constant 256 : i32
      %mul3A_118 = vector.broadcast %mul3A_117 : i32 to vector<16xi32>
      %mul3A_119 = arith.muli %sub3A_116, %mul3A_118 : vector<16xi32>
      %add3A_120 = arith.addi %mul3A_119, %get3A_107 : vector<16xi32>
      %jit3A_121 = arith.constant 1280000 : i32
      %broadcast_in_dim3A_122 = vector.broadcast %jit3A_121 : i32 to vector<16xi32>
      %select_n3A_123 = arith.select %and3A_114, %add3A_120, %broadcast_in_dim3A_122 : vector<16xi1>, vector<16xi32>
      %swap3A_124 = arith.constant 0 : i32
      %swap3A_125 = arith.index_cast %swap3A_124 : i32 to index
      %swap3A_126 = arith.constant 16 : index
      %swap3A_127 = tpu.vector_load %arg8[%swap3A_125, %swap3A_126] {strides = array<i32>} : memref<1x128xi32, #tpu.memory_space<vmem>>, vector<1x16xi32>,
      %swap3A_128 = vector.shape_cast %swap3A_127 : vector<1x16xi32> to vector<16xi32>
      %swap3A_129 = vector.shape_cast %select_n3A_123 : vector<16xi32> to vector<1x16xi32>
      tpu.vector_store %arg8[%swap3A_125, %swap3A_126], %swap3A_129 {strides = array<i32>} : memref<1x128xi32, #tpu.memory_space<vmem>>, vector<1x16xi32>,
      %mul3A_130 = arith.constant 128 : i32
      %mul3A_131 = arith.muli %scan3A_65, %mul3A_130 : i32
      %add3A_132 = arith.constant 32 : i32
      %add3A_133 = arith.addi %mul3A_131, %add3A_132 : i32
      %get3A_134 = arith.index_cast %add3A_133 : i32 to index
      %get3A_135 = tpu.vector_load %arg6[%get3A_134] {strides = array<i32>} : memref<20224xi32, #tpu.memory_space<vmem>>, vector<16xi32>,
      %get3A_136 = vector.shape_cast %get3A_135 : vector<16xi32> to vector<16xi32>
      %mul3A_137 = arith.constant 128 : i32
      %mul3A_138 = arith.muli %scan3A_65, %mul3A_137 : i32
      %add3A_139 = arith.constant 32 : i32
      %add3A_140 = arith.addi %mul3A_138, %add3A_139 : i32
      %get3A_141 = arith.index_cast %add3A_140 : i32 to index
      %get3A_142 = tpu.vector_load %arg7[%get3A_141] {strides = array<i32>} : memref<20224xi32, #tpu.memory_space<vmem>>, vector<16xi32>,
      %get3A_143 = vector.shape_cast %get3A_142 : vector<16xi32> to vector<16xi32>
      %ge3A_144 = vector.broadcast %mul3A_0 : i32 to vector<16xi32>
      %ge3A_145 = arith.cmpi sge, %get3A_136, %ge3A_144 : vector<16xi32>
      %add3A_146 = arith.constant 5000 : i32
      %add3A_147 = arith.addi %mul3A_0, %add3A_146 : i32
      %lt3A_148 = vector.broadcast %add3A_147 : i32 to vector<16xi32>
      %lt3A_149 = arith.cmpi slt, %get3A_136, %lt3A_148 : vector<16xi32>
      %and3A_150 = arith.andi %ge3A_145, %lt3A_149 : vector<16xi1>
      %sub3A_151 = vector.broadcast %mul3A_0 : i32 to vector<16xi32>
      %sub3A_152 = arith.subi %get3A_136, %sub3A_151 : vector<16xi32>
      %mul3A_153 = arith.constant 256 : i32
      %mul3A_154 = vector.broadcast %mul3A_153 : i32 to vector<16xi32>
      %mul3A_155 = arith.muli %sub3A_152, %mul3A_154 : vector<16xi32>
      %add3A_156 = arith.addi %mul3A_155, %get3A_143 : vector<16xi32>
      %jit3A_157 = arith.constant 1280000 : i32
      %broadcast_in_dim3A_158 = vector.broadcast %jit3A_157 : i32 to vector<16xi32>
      %select_n3A_159 = arith.select %and3A_150, %add3A_156, %broadcast_in_dim3A_158 : vector<16xi1>, vector<16xi32>
      %swap3A_160 = arith.constant 0 : i32
      %swap3A_161 = arith.index_cast %swap3A_160 : i32 to index
      %swap3A_162 = arith.constant 32 : index
      %swap3A_163 = tpu.vector_load %arg8[%swap3A_161, %swap3A_162] {strides = array<i32>} : memref<1x128xi32, #tpu.memory_space<vmem>>, vector<1x16xi32>,
      %swap3A_164 = vector.shape_cast %swap3A_163 : vector<1x16xi32> to vector<16xi32>
      %swap3A_165 = vector.shape_cast %select_n3A_159 : vector<16xi32> to vector<1x16xi32>
      tpu.vector_store %arg8[%swap3A_161, %swap3A_162], %swap3A_165 {strides = array<i32>} : memref<1x128xi32, #tpu.memory_space<vmem>>, vector<1x16xi32>,
      %mul3A_166 = arith.constant 128 : i32
      %mul3A_167 = arith.muli %scan3A_65, %mul3A_166 : i32
      %add3A_168 = arith.constant 48 : i32
      %add3A_169 = arith.addi %mul3A_167, %add3A_168 : i32
      %get3A_170 = arith.index_cast %add3A_169 : i32 to index
      %get3A_171 = tpu.vector_load %arg6[%get3A_170] {strides = array<i32>} : memref<20224xi32, #tpu.memory_space<vmem>>, vector<16xi32>,
      %get3A_172 = vector.shape_cast %get3A_171 : vector<16xi32> to vector<16xi32>
      %mul3A_173 = arith.constant 128 : i32
      %mul3A_174 = arith.muli %scan3A_65, %mul3A_173 : i32
      %add3A_175 = arith.constant 48 : i32
      %add3A_176 = arith.addi %mul3A_174, %add3A_175 : i32
      %get3A_177 = arith.index_cast %add3A_176 : i32 to index
      %get3A_178 = tpu.vector_load %arg7[%get3A_177] {strides = array<i32>} : memref<20224xi32, #tpu.memory_space<vmem>>, vector<16xi32>,
      %get3A_179 = vector.shape_cast %get3A_178 : vector<16xi32> to vector<16xi32>
      %ge3A_180 = vector.broadcast %mul3A_0 : i32 to vector<16xi32>
      %ge3A_181 = arith.cmpi sge, %get3A_172, %ge3A_180 : vector<16xi32>
      %add3A_182 = arith.constant 5000 : i32
      %add3A_183 = arith.addi %mul3A_0, %add3A_182 : i32
      %lt3A_184 = vector.broadcast %add3A_183 : i32 to vector<16xi32>
      %lt3A_185 = arith.cmpi slt, %get3A_172, %lt3A_184 : vector<16xi32>
      %and3A_186 = arith.andi %ge3A_181, %lt3A_185 : vector<16xi1>
      %sub3A_187 = vector.broadcast %mul3A_0 : i32 to vector<16xi32>
      %sub3A_188 = arith.subi %get3A_172, %sub3A_187 : vector<16xi32>
      %mul3A_189 = arith.constant 256 : i32
      %mul3A_190 = vector.broadcast %mul3A_189 : i32 to vector<16xi32>
      %mul3A_191 = arith.muli %sub3A_188, %mul3A_190 : vector<16xi32>
      %add3A_192 = arith.addi %mul3A_191, %get3A_179 : vector<16xi32>
      %jit3A_193 = arith.constant 1280000 : i32
      %broadcast_in_dim3A_194 = vector.broadcast %jit3A_193 : i32 to vector<16xi32>
      %select_n3A_195 = arith.select %and3A_186, %add3A_192, %broadcast_in_dim3A_194 : vector<16xi1>, vector<16xi32>
      %swap3A_196 = arith.constant 0 : i32
      %swap3A_197 = arith.index_cast %swap3A_196 : i32 to index
      %swap3A_198 = arith.constant 48 : index
      %swap3A_199 = tpu.vector_load %arg8[%swap3A_197, %swap3A_198] {strides = array<i32>} : memref<1x128xi32, #tpu.memory_space<vmem>>, vector<1x16xi32>,
      %swap3A_200 = vector.shape_cast %swap3A_199 : vector<1x16xi32> to vector<16xi32>
      %swap3A_201 = vector.shape_cast %select_n3A_195 : vector<16xi32> to vector<1x16xi32>
      tpu.vector_store %arg8[%swap3A_197, %swap3A_198], %swap3A_201 {strides = array<i32>} : memref<1x128xi32, #tpu.memory_space<vmem>>, vector<1x16xi32>,
      %mul3A_202 = arith.constant 128 : i32
      %mul3A_203 = arith.muli %scan3A_65, %mul3A_202 : i32
      %add3A_204 = arith.constant 64 : i32
      %add3A_205 = arith.addi %mul3A_203, %add3A_204 : i32
      %get3A_206 = arith.index_cast %add3A_205 : i32 to index
      %get3A_207 = tpu.vector_load %arg6[%get3A_206] {strides = array<i32>} : memref<20224xi32, #tpu.memory_space<vmem>>, vector<16xi32>,
      %get3A_208 = vector.shape_cast %get3A_207 : vector<16xi32> to vector<16xi32>
      %mul3A_209 = arith.constant 128 : i32
      %mul3A_210 = arith.muli %scan3A_65, %mul3A_209 : i32
      %add3A_211 = arith.constant 64 : i32
      %add3A_212 = arith.addi %mul3A_210, %add3A_211 : i32
      %get3A_213 = arith.index_cast %add3A_212 : i32 to index
      %get3A_214 = tpu.vector_load %arg7[%get3A_213] {strides = array<i32>} : memref<20224xi32, #tpu.memory_space<vmem>>, vector<16xi32>,
      %get3A_215 = vector.shape_cast %get3A_214 : vector<16xi32> to vector<16xi32>
      %ge3A_216 = vector.broadcast %mul3A_0 : i32 to vector<16xi32>
      %ge3A_217 = arith.cmpi sge, %get3A_208, %ge3A_216 : vector<16xi32>
      %add3A_218 = arith.constant 5000 : i32
      %add3A_219 = arith.addi %mul3A_0, %add3A_218 : i32
      %lt3A_220 = vector.broadcast %add3A_219 : i32 to vector<16xi32>
      %lt3A_221 = arith.cmpi slt, %get3A_208, %lt3A_220 : vector<16xi32>
      %and3A_222 = arith.andi %ge3A_217, %lt3A_221 : vector<16xi1>
      %sub3A_223 = vector.broadcast %mul3A_0 : i32 to vector<16xi32>
      %sub3A_224 = arith.subi %get3A_208, %sub3A_223 : vector<16xi32>
      %mul3A_225 = arith.constant 256 : i32
      %mul3A_226 = vector.broadcast %mul3A_225 : i32 to vector<16xi32>
      %mul3A_227 = arith.muli %sub3A_224, %mul3A_226 : vector<16xi32>
      %add3A_228 = arith.addi %mul3A_227, %get3A_215 : vector<16xi32>
      %jit3A_229 = arith.constant 1280000 : i32
      %broadcast_in_dim3A_230 = vector.broadcast %jit3A_229 : i32 to vector<16xi32>
      %select_n3A_231 = arith.select %and3A_222, %add3A_228, %broadcast_in_dim3A_230 : vector<16xi1>, vector<16xi32>
      %swap3A_232 = arith.constant 0 : i32
      %swap3A_233 = arith.index_cast %swap3A_232 : i32 to index
      %swap3A_234 = arith.constant 64 : index
      %swap3A_235 = tpu.vector_load %arg8[%swap3A_233, %swap3A_234] {strides = array<i32>} : memref<1x128xi32, #tpu.memory_space<vmem>>, vector<1x16xi32>,
      %swap3A_236 = vector.shape_cast %swap3A_235 : vector<1x16xi32> to vector<16xi32>
      %swap3A_237 = vector.shape_cast %select_n3A_231 : vector<16xi32> to vector<1x16xi32>
      tpu.vector_store %arg8[%swap3A_233, %swap3A_234], %swap3A_237 {strides = array<i32>} : memref<1x128xi32, #tpu.memory_space<vmem>>, vector<1x16xi32>,
      %mul3A_238 = arith.constant 128 : i32
      %mul3A_239 = arith.muli %scan3A_65, %mul3A_238 : i32
      %add3A_240 = arith.constant 80 : i32
      %add3A_241 = arith.addi %mul3A_239, %add3A_240 : i32
      %get3A_242 = arith.index_cast %add3A_241 : i32 to index
      %get3A_243 = tpu.vector_load %arg6[%get3A_242] {strides = array<i32>} : memref<20224xi32, #tpu.memory_space<vmem>>, vector<16xi32>,
      %get3A_244 = vector.shape_cast %get3A_243 : vector<16xi32> to vector<16xi32>
      %mul3A_245 = arith.constant 128 : i32
      %mul3A_246 = arith.muli %scan3A_65, %mul3A_245 : i32
      %add3A_247 = arith.constant 80 : i32
      %add3A_248 = arith.addi %mul3A_246, %add3A_247 : i32
      %get3A_249 = arith.index_cast %add3A_248 : i32 to index
      %get3A_250 = tpu.vector_load %arg7[%get3A_249] {strides = array<i32>} : memref<20224xi32, #tpu.memory_space<vmem>>, vector<16xi32>,
      %get3A_251 = vector.shape_cast %get3A_250 : vector<16xi32> to vector<16xi32>
      %ge3A_252 = vector.broadcast %mul3A_0 : i32 to vector<16xi32>
      %ge3A_253 = arith.cmpi sge, %get3A_244, %ge3A_252 : vector<16xi32>
      %add3A_254 = arith.constant 5000 : i32
      %add3A_255 = arith.addi %mul3A_0, %add3A_254 : i32
      %lt3A_256 = vector.broadcast %add3A_255 : i32 to vector<16xi32>
      %lt3A_257 = arith.cmpi slt, %get3A_244, %lt3A_256 : vector<16xi32>
      %and3A_258 = arith.andi %ge3A_253, %lt3A_257 : vector<16xi1>
      %sub3A_259 = vector.broadcast %mul3A_0 : i32 to vector<16xi32>
      %sub3A_260 = arith.subi %get3A_244, %sub3A_259 : vector<16xi32>
      %mul3A_261 = arith.constant 256 : i32
      %mul3A_262 = vector.broadcast %mul3A_261 : i32 to vector<16xi32>
      %mul3A_263 = arith.muli %sub3A_260, %mul3A_262 : vector<16xi32>
      %add3A_264 = arith.addi %mul3A_263, %get3A_251 : vector<16xi32>
      %jit3A_265 = arith.constant 1280000 : i32
      %broadcast_in_dim3A_266 = vector.broadcast %jit3A_265 : i32 to vector<16xi32>
      %select_n3A_267 = arith.select %and3A_258, %add3A_264, %broadcast_in_dim3A_266 : vector<16xi1>, vector<16xi32>
      %swap3A_268 = arith.constant 0 : i32
      %swap3A_269 = arith.index_cast %swap3A_268 : i32 to index
      %swap3A_270 = arith.constant 80 : index
      %swap3A_271 = tpu.vector_load %arg8[%swap3A_269, %swap3A_270] {strides = array<i32>} : memref<1x128xi32, #tpu.memory_space<vmem>>, vector<1x16xi32>,
      %swap3A_272 = vector.shape_cast %swap3A_271 : vector<1x16xi32> to vector<16xi32>
      %swap3A_273 = vector.shape_cast %select_n3A_267 : vector<16xi32> to vector<1x16xi32>
      tpu.vector_store %arg8[%swap3A_269, %swap3A_270], %swap3A_273 {strides = array<i32>} : memref<1x128xi32, #tpu.memory_space<vmem>>, vector<1x16xi32>,
      %mul3A_274 = arith.constant 128 : i32
      %mul3A_275 = arith.muli %scan3A_65, %mul3A_274 : i32
      %add3A_276 = arith.constant 96 : i32
      %add3A_277 = arith.addi %mul3A_275, %add3A_276 : i32
      %get3A_278 = arith.index_cast %add3A_277 : i32 to index
      %get3A_279 = tpu.vector_load %arg6[%get3A_278] {strides = array<i32>} : memref<20224xi32, #tpu.memory_space<vmem>>, vector<16xi32>,
      %get3A_280 = vector.shape_cast %get3A_279 : vector<16xi32> to vector<16xi32>
      %mul3A_281 = arith.constant 128 : i32
      %mul3A_282 = arith.muli %scan3A_65, %mul3A_281 : i32
      %add3A_283 = arith.constant 96 : i32
      %add3A_284 = arith.addi %mul3A_282, %add3A_283 : i32
      %get3A_285 = arith.index_cast %add3A_284 : i32 to index
      %get3A_286 = tpu.vector_load %arg7[%get3A_285] {strides = array<i32>} : memref<20224xi32, #tpu.memory_space<vmem>>, vector<16xi32>,
      %get3A_287 = vector.shape_cast %get3A_286 : vector<16xi32> to vector<16xi32>
      %ge3A_288 = vector.broadcast %mul3A_0 : i32 to vector<16xi32>
      %ge3A_289 = arith.cmpi sge, %get3A_280, %ge3A_288 : vector<16xi32>
      %add3A_290 = arith.constant 5000 : i32
      %add3A_291 = arith.addi %mul3A_0, %add3A_290 : i32
      %lt3A_292 = vector.broadcast %add3A_291 : i32 to vector<16xi32>
      %lt3A_293 = arith.cmpi slt, %get3A_280, %lt3A_292 : vector<16xi32>
      %and3A_294 = arith.andi %ge3A_289, %lt3A_293 : vector<16xi1>
      %sub3A_295 = vector.broadcast %mul3A_0 : i32 to vector<16xi32>
      %sub3A_296 = arith.subi %get3A_280, %sub3A_295 : vector<16xi32>
      %mul3A_297 = arith.constant 256 : i32
      %mul3A_298 = vector.broadcast %mul3A_297 : i32 to vector<16xi32>
      %mul3A_299 = arith.muli %sub3A_296, %mul3A_298 : vector<16xi32>
      %add3A_300 = arith.addi %mul3A_299, %get3A_287 : vector<16xi32>
      %jit3A_301 = arith.constant 1280000 : i32
      %broadcast_in_dim3A_302 = vector.broadcast %jit3A_301 : i32 to vector<16xi32>
      %select_n3A_303 = arith.select %and3A_294, %add3A_300, %broadcast_in_dim3A_302 : vector<16xi1>, vector<16xi32>
      %swap3A_304 = arith.constant 0 : i32
      %swap3A_305 = arith.index_cast %swap3A_304 : i32 to index
      %swap3A_306 = arith.constant 96 : index
      %swap3A_307 = tpu.vector_load %arg8[%swap3A_305, %swap3A_306] {strides = array<i32>} : memref<1x128xi32, #tpu.memory_space<vmem>>, vector<1x16xi32>,
      %swap3A_308 = vector.shape_cast %swap3A_307 : vector<1x16xi32> to vector<16xi32>
      %swap3A_309 = vector.shape_cast %select_n3A_303 : vector<16xi32> to vector<1x16xi32>
      tpu.vector_store %arg8[%swap3A_305, %swap3A_306], %swap3A_309 {strides = array<i32>} : memref<1x128xi32, #tpu.memory_space<vmem>>, vector<1x16xi32>,
      %mul3A_310 = arith.constant 128 : i32
      %mul3A_311 = arith.muli %scan3A_65, %mul3A_310 : i32
      %add3A_312 = arith.constant 112 : i32
      %add3A_313 = arith.addi %mul3A_311, %add3A_312 : i32
      %get3A_314 = arith.index_cast %add3A_313 : i32 to index
      %get3A_315 = tpu.vector_load %arg6[%get3A_314] {strides = array<i32>} : memref<20224xi32, #tpu.memory_space<vmem>>, vector<16xi32>,
      %get3A_316 = vector.shape_cast %get3A_315 : vector<16xi32> to vector<16xi32>
      %mul3A_317 = arith.constant 128 : i32
      %mul3A_318 = arith.muli %scan3A_65, %mul3A_317 : i32
      %add3A_319 = arith.constant 112 : i32
      %add3A_320 = arith.addi %mul3A_318, %add3A_319 : i32
      %get3A_321 = arith.index_cast %add3A_320 : i32 to index
      %get3A_322 = tpu.vector_load %arg7[%get3A_321] {strides = array<i32>} : memref<20224xi32, #tpu.memory_space<vmem>>, vector<16xi32>,
      %get3A_323 = vector.shape_cast %get3A_322 : vector<16xi32> to vector<16xi32>
      %ge3A_324 = vector.broadcast %mul3A_0 : i32 to vector<16xi32>
      %ge3A_325 = arith.cmpi sge, %get3A_316, %ge3A_324 : vector<16xi32>
      %add3A_326 = arith.constant 5000 : i32
      %add3A_327 = arith.addi %mul3A_0, %add3A_326 : i32
      %lt3A_328 = vector.broadcast %add3A_327 : i32 to vector<16xi32>
      %lt3A_329 = arith.cmpi slt, %get3A_316, %lt3A_328 : vector<16xi32>
      %and3A_330 = arith.andi %ge3A_325, %lt3A_329 : vector<16xi1>
      %sub3A_331 = vector.broadcast %mul3A_0 : i32 to vector<16xi32>
      %sub3A_332 = arith.subi %get3A_316, %sub3A_331 : vector<16xi32>
      %mul3A_333 = arith.constant 256 : i32
      %mul3A_334 = vector.broadcast %mul3A_333 : i32 to vector<16xi32>
      %mul3A_335 = arith.muli %sub3A_332, %mul3A_334 : vector<16xi32>
      %add3A_336 = arith.addi %mul3A_335, %get3A_323 : vector<16xi32>
      %jit3A_337 = arith.constant 1280000 : i32
      %broadcast_in_dim3A_338 = vector.broadcast %jit3A_337 : i32 to vector<16xi32>
      %select_n3A_339 = arith.select %and3A_330, %add3A_336, %broadcast_in_dim3A_338 : vector<16xi1>, vector<16xi32>
      %swap3A_340 = arith.constant 0 : i32
      %swap3A_341 = arith.index_cast %swap3A_340 : i32 to index
      %swap3A_342 = arith.constant 112 : index
      %swap3A_343 = tpu.vector_load %arg8[%swap3A_341, %swap3A_342] {strides = array<i32>} : memref<1x128xi32, #tpu.memory_space<vmem>>, vector<1x16xi32>,
      %swap3A_344 = vector.shape_cast %swap3A_343 : vector<1x16xi32> to vector<16xi32>
      %swap3A_345 = vector.shape_cast %select_n3A_339 : vector<16xi32> to vector<1x16xi32>
      tpu.vector_store %arg8[%swap3A_341, %swap3A_342], %swap3A_345 {strides = array<i32>} : memref<1x128xi32, #tpu.memory_space<vmem>>, vector<1x16xi32>,
      %run_scoped3A = arith.constant 0 : i32
      "tpu.region"() ({
        %run_scoped3A_346 = tpu.sem_alloc : memref<!tpu.dma_semaphore, #tpu.memory_space<semaphore_mem>>
        %dma_start3A = arith.constant 0 : i32
        %dma_start3A_347 = tpu.memref_slice %arg8[%run_scoped3A, %dma_start3A] : memref<1x128xi32, #tpu.memory_space<vmem>> -> memref<1x128xi32, #tpu.memory_space<vmem>>
        %dma_start3A_348 = tpu.memref_squeeze %dma_start3A_347 : memref<1x128xi32, #tpu.memory_space<vmem>> -> memref<128xi32, #tpu.memory_space<vmem>>
        %dma_start3A_349 = arith.constant 0 : i32
        %dma_start3A_350 = tpu.memref_slice %arg10[%dma_start3A_349] : memref<1310720xf32, #tpu.memory_space<vmem_shared>> -> memref<1310720xf32, #tpu.memory_space<vmem_shared>>
        tpu.enqueue_indirect_dma source(%arg9 : memref<128xf32, #tpu.memory_space<vmem>>) target(%dma_start3A_350 : memref<1310720xf32, #tpu.memory_space<vmem_shared>>) offsets(%dma_start3A_348 : memref<128xi32, #tpu.memory_space<vmem>>) semaphore(%run_scoped3A_346 : memref<!tpu.dma_semaphore, #tpu.memory_space<semaphore_mem>>) {add = true}
        %dma_wait3A = arith.constant 0 : i32
        %dma_wait3A_351 = tpu.memref_slice %arg8[%run_scoped3A, %dma_wait3A] : memref<1x128xi32, #tpu.memory_space<vmem>> -> memref<1x128xi32, #tpu.memory_space<vmem>>
        %dma_wait3A_352 = tpu.memref_squeeze %dma_wait3A_351 : memref<1x128xi32, #tpu.memory_space<vmem>> -> memref<128xi32, #tpu.memory_space<vmem>>
        %dma_wait3A_353 = arith.constant 0 : i32
        %dma_wait3A_354 = tpu.memref_slice %arg10[%dma_wait3A_353] : memref<1310720xf32, #tpu.memory_space<vmem_shared>> -> memref<1310720xf32, #tpu.memory_space<vmem_shared>>
        tpu.wait_indirect_dma semaphore(%run_scoped3A_346 : memref<!tpu.dma_semaphore, #tpu.memory_space<semaphore_mem>>) src(%arg9 : memref<128xf32, #tpu.memory_space<vmem>>) dst(%dma_wait3A_354 : memref<1310720xf32, #tpu.memory_space<vmem_shared>>)
        tpu.yield
      }) : () -> ()
    }
    %scan3A_59 = arith.constant 158 : i32
    %barrier3A_60 = arith.constant 0 : index
    tpu.barrier barrier_id(%barrier3A_60)
    %mul3A_61 = arith.constant 81920 : i32
    %mul3A_62 = arith.muli %arg1, %mul3A_61 : i32
    %mul3A_63 = arith.constant 81920 : i32
    %mul3A_64 = arith.muli %arg1, %mul3A_63 : i32
    "tpu.region"() ({
      %run_scoped3A = tpu.sem_alloc : memref<!tpu.dma_semaphore, #tpu.memory_space<semaphore_mem>>
      %dma_start3A = tpu.memref_slice %arg5[%arg0, %mul3A_64] : memref<2x1310720xf32, #tpu.memory_space<hbm>> -> memref<1x81920xf32, #tpu.memory_space<hbm>>
      %dma_start3A_65 = tpu.memref_squeeze %dma_start3A : memref<1x81920xf32, #tpu.memory_space<hbm>> -> memref<81920xf32, #tpu.memory_space<hbm>>
      %dma_start3A_66 = tpu.memref_slice %arg10[%mul3A_62] : memref<1310720xf32, #tpu.memory_space<vmem_shared>> -> memref<81920xf32, #tpu.memory_space<vmem_shared>>
      tpu.enqueue_dma source(%dma_start3A_66 : memref<81920xf32, #tpu.memory_space<vmem_shared>>) target(%dma_start3A_65 : memref<81920xf32, #tpu.memory_space<hbm>>) target_semaphore(%run_scoped3A : memref<!tpu.dma_semaphore, #tpu.memory_space<semaphore_mem>>)
      %dma_wait3A = tpu.memref_slice %arg5[%arg0, %mul3A_64] : memref<2x1310720xf32, #tpu.memory_space<hbm>> -> memref<1x81920xf32, #tpu.memory_space<hbm>>
      %dma_wait3A_67 = tpu.memref_squeeze %dma_wait3A : memref<1x81920xf32, #tpu.memory_space<hbm>> -> memref<81920xf32, #tpu.memory_space<hbm>>
      %dma_wait3A_68 = tpu.memref_slice %arg10[%mul3A_62] : memref<1310720xf32, #tpu.memory_space<vmem_shared>> -> memref<81920xf32, #tpu.memory_space<vmem_shared>>
      tpu.wait_dma2 semaphore(%run_scoped3A : memref<!tpu.dma_semaphore, #tpu.memory_space<semaphore_mem>>) src(%dma_wait3A_68 : memref<81920xf32, #tpu.memory_space<vmem_shared>>) dst(%dma_wait3A_67 : memref<81920xf32, #tpu.memory_space<hbm>>)
      tpu.yield
    }) : () -> ()
    return
  }
}

module attributes {stable_mosaic.version = 14 : i64} {
  func.func @_tc_layer_body(%arg0: i32, %arg1: memref<1000x128xf32, #tpu.memory_space<vmem>>, %arg2: memref<1000x128xf32, #tpu.memory_space<vmem>>, %arg3: memref<1000x128xf32, #tpu.memory_space<vmem>>, %arg4: memref<1000x256xf32, #tpu.memory_space<vmem>>, %arg5: memref<256x128xf32, #tpu.memory_space<vmem>>, %arg6: memref<1000x1xf32, #tpu.memory_space<vmem>>, %arg7: memref<128x128xf32, #tpu.memory_space<vmem>>, %arg8: memref<128x128xf32, #tpu.memory_space<vmem>>, %arg9: memref<128x128xf32, #tpu.memory_space<vmem>>, %arg10: memref<1000x128xf32, #tpu.memory_space<vmem>>) attributes {dimension_semantics = [#tpu.dimension_semantics<arbitrary>], iteration_bounds = array<i64: 10>, scalar_prefetch = 0 : i64, scratch_operands = 0 : i64, tpu.core_type = #tpu.core_type<tc>, window_params = [{transform_indices = @transform_0, window_bounds = array<i64: 1000, 128>}, {transform_indices = @transform_1, window_bounds = array<i64: 1000, 128>}, {transform_indices = @transform_2, window_bounds = array<i64: 1000, 128>}, {transform_indices = @transform_3, window_bounds = array<i64: 1000, 256>}, {pipeline_mode = #tpu.pipeline_mode<synchronous>, transform_indices = @transform_4, window_bounds = array<i64: 256, 128>}, {transform_indices = @transform_5, window_bounds = array<i64: 1000, 1>}, {pipeline_mode = #tpu.pipeline_mode<synchronous>, transform_indices = @transform_6, window_bounds = array<i64: 128, 128>}, {pipeline_mode = #tpu.pipeline_mode<synchronous>, transform_indices = @transform_7, window_bounds = array<i64: 128, 128>}, {pipeline_mode = #tpu.pipeline_mode<synchronous>, transform_indices = @transform_8, window_bounds = array<i64: 128, 128>}, {transform_indices = @transform_9, window_bounds = array<i64: 1000, 128>}]} {
    %get3A = arith.constant 0 : index
    %get3A_0 = arith.constant 0 : index
    %get3A_1 = vector.load %arg1[%get3A, %get3A_0] : memref<1000x128xf32, #tpu.memory_space<vmem>>, vector<1000x128xf32>
    %get3A_2 = arith.constant 0 : index
    %get3A_3 = arith.constant 0 : index
    %get3A_4 = vector.load %arg2[%get3A_2, %get3A_3] : memref<1000x128xf32, #tpu.memory_space<vmem>>, vector<1000x128xf32>
    %add3A = arith.addf %get3A_1, %get3A_4 : vector<1000x128xf32>
    %get3A_5 = arith.constant 0 : index
    %get3A_6 = arith.constant 0 : index
    %get3A_7 = vector.load %arg5[%get3A_5, %get3A_6] : memref<256x128xf32, #tpu.memory_space<vmem>>, vector<256x128xf32>
    %get3A_8 = arith.constant 0 : index
    %get3A_9 = arith.constant 0 : index
    %get3A_10 = vector.load %arg7[%get3A_8, %get3A_9] : memref<128x128xf32, #tpu.memory_space<vmem>>, vector<128x128xf32>
    %dot_general3A = arith.constant dense<0.000000e+00> : vector<256x128xf32>
    %dot_general3A_11 = tpu.matmul %get3A_7, %get3A_10, %dot_general3A {dimension_numbers = #tpu.dot_dimension_numbers<[1], [0], [0], [1], [0, 0, 1, 1], [], []>, transpose_lhs_hint = false} : vector<256x128xf32>, vector<128x128xf32>, vector<256x128xf32> -> vector<256x128xf32>
    %get3A_12 = arith.constant 0 : index
    %get3A_13 = arith.constant 0 : index
    %get3A_14 = vector.load %arg7[%get3A_12, %get3A_13] : memref<128x128xf32, #tpu.memory_space<vmem>>, vector<128x128xf32>
    %dot_general3A_15 = arith.constant dense<0.000000e+00> : vector<1000x128xf32>
    %dot_general3A_16 = tpu.matmul %add3A, %get3A_14, %dot_general3A_15 {dimension_numbers = #tpu.dot_dimension_numbers<[1], [0], [0], [1], [0, 0, 1, 1], [], []>, transpose_lhs_hint = false} : vector<1000x128xf32>, vector<128x128xf32>, vector<1000x128xf32> -> vector<1000x128xf32>
    %get3A_17 = arith.constant 0 : index
    %get3A_18 = arith.constant 0 : index
    %get3A_19 = vector.load %arg4[%get3A_17, %get3A_18] : memref<1000x256xf32, #tpu.memory_space<vmem>>, vector<1000x256xf32>
    %dot_general3A_20 = arith.constant dense<0.000000e+00> : vector<1000x128xf32>
    %dot_general3A_21 = tpu.matmul %get3A_19, %dot_general3A_11, %dot_general3A_20 {dimension_numbers = #tpu.dot_dimension_numbers<[1], [0], [0], [1], [0, 0, 1, 1], [], []>, transpose_lhs_hint = false} : vector<1000x256xf32>, vector<256x128xf32>, vector<1000x128xf32> -> vector<1000x128xf32>
    %add3A_22 = arith.addf %dot_general3A_16, %dot_general3A_21 : vector<1000x128xf32>
    %get3A_23 = arith.constant 0 : index
    %get3A_24 = arith.constant 0 : index
    %get3A_25 = vector.load %arg6[%get3A_23, %get3A_24] : memref<1000x1xf32, #tpu.memory_space<vmem>>, vector<1000x1xf32>
    %mul3A = vector.broadcast %get3A_25 : vector<1000x1xf32> to vector<1000x128xf32>
    %mul3A_26 = arith.mulf %add3A_22, %mul3A : vector<1000x128xf32>
    %get3A_27 = arith.constant 0 : index
    %get3A_28 = arith.constant 0 : index
    %get3A_29 = vector.load %arg4[%get3A_27, %get3A_28] : memref<1000x256xf32, #tpu.memory_space<vmem>>, vector<1000x256xf32>
    %reduce_sum3A = arith.constant dense<0.000000e+00> : vector<1000xf32>
    %reduce_sum3A_30 = vector.multi_reduction <add>, %get3A_29, %reduce_sum3A [1] : vector<1000x256xf32> to vector<1000xf32>
    %broadcast_in_dim3A = vector.shape_cast %reduce_sum3A_30 : vector<1000xf32> to vector<1000x1xf32>
    %get3A_31 = arith.constant 0 : index
    %get3A_32 = arith.constant 0 : index
    %get3A_33 = vector.load %arg3[%get3A_31, %get3A_32] : memref<1000x128xf32, #tpu.memory_space<vmem>>, vector<1000x128xf32>
    %gt3A = arith.constant 0.000000e+00 : f32
    %gt3A_34 = vector.broadcast %gt3A : f32 to vector<1000x1xf32>
    %gt3A_35 = arith.cmpf ogt, %broadcast_in_dim3A, %gt3A_34 : vector<1000x1xf32>
    %get3A_36 = arith.constant 0 : index
    %get3A_37 = arith.constant 0 : index
    %get3A_38 = vector.load %arg8[%get3A_36, %get3A_37] : memref<128x128xf32, #tpu.memory_space<vmem>>, vector<128x128xf32>
    %dot_general3A_39 = arith.constant dense<0.000000e+00> : vector<1000x128xf32>
    %dot_general3A_40 = tpu.matmul %get3A_33, %get3A_38, %dot_general3A_39 {dimension_numbers = #tpu.dot_dimension_numbers<[1], [0], [0], [1], [0, 0, 1, 1], [], []>, transpose_lhs_hint = false} : vector<1000x128xf32>, vector<128x128xf32>, vector<1000x128xf32> -> vector<1000x128xf32>
    %get3A_41 = arith.constant 0 : index
    %get3A_42 = arith.constant 0 : index
    %get3A_43 = vector.load %arg9[%get3A_41, %get3A_42] : memref<128x128xf32, #tpu.memory_space<vmem>>, vector<128x128xf32>
    %dot_general3A_44 = arith.constant dense<0.000000e+00> : vector<1000x128xf32>
    %dot_general3A_45 = tpu.matmul %get3A_33, %get3A_43, %dot_general3A_44 {dimension_numbers = #tpu.dot_dimension_numbers<[1], [0], [0], [1], [0, 0, 1, 1], [], []>, transpose_lhs_hint = false} : vector<1000x128xf32>, vector<128x128xf32>, vector<1000x128xf32> -> vector<1000x128xf32>
    %broadcast_in_dim3A_46 = vector.shape_cast %gt3A_35 : vector<1000x1xi1> to vector<1000x1xi1>
    %broadcast_in_dim3A_47 = vector.broadcast %broadcast_in_dim3A_46 : vector<1000x1xi1> to vector<1000x128xi1>
    %select_n3A = arith.select %broadcast_in_dim3A_47, %dot_general3A_40, %dot_general3A_45 : vector<1000x128xi1>, vector<1000x128xf32>
    %add3A_48 = arith.addf %mul3A_26, %select_n3A : vector<1000x128xf32>
    %ge3A = arith.constant 0.000000e+00 : f32
    %ge3A_49 = vector.broadcast %ge3A : f32 to vector<1000x128xf32>
    %ge3A_50 = arith.cmpf oge, %add3A_48, %ge3A_49 : vector<1000x128xf32>
    %mul3A_51 = arith.constant 0.229166672 : f32
    %mul3A_52 = vector.broadcast %mul3A_51 : f32 to vector<1000x128xf32>
    %mul3A_53 = arith.mulf %add3A_48, %mul3A_52 : vector<1000x128xf32>
    %select_n3A_54 = arith.select %ge3A_50, %add3A_48, %mul3A_53 : vector<1000x128xi1>, vector<1000x128xf32>
    %swap3A = arith.constant 0 : index
    %swap3A_55 = arith.constant 0 : index
    %swap3A_56 = vector.load %arg10[%swap3A, %swap3A_55] : memref<1000x128xf32, #tpu.memory_space<vmem>>, vector<1000x128xf32>
    tpu.vector_store %arg10[%swap3A, %swap3A_55], %select_n3A_54 {strides = array<i32>} : memref<1000x128xf32, #tpu.memory_space<vmem>>, vector<1000x128xf32>,
    return
  }
  func.func @transform_0(%arg0: i32) -> (i32, i32) {
    %c0_i32 = arith.constant 0 : i32
    %c0_i32_0 = arith.constant 0 : i32
    return %arg0, %c0_i32 : i32, i32
  }
  func.func @transform_1(%arg0: i32) -> (i32, i32) {
    %c0_i32 = arith.constant 0 : i32
    %c0_i32_0 = arith.constant 0 : i32
    return %arg0, %c0_i32 : i32, i32
  }
  func.func @transform_2(%arg0: i32) -> (i32, i32) {
    %c0_i32 = arith.constant 0 : i32
    %c0_i32_0 = arith.constant 0 : i32
    return %arg0, %c0_i32 : i32, i32
  }
  func.func @transform_3(%arg0: i32) -> (i32, i32) {
    %c0_i32 = arith.constant 0 : i32
    %c0_i32_0 = arith.constant 0 : i32
    return %arg0, %c0_i32 : i32, i32
  }
  func.func @transform_4(%arg0: i32) -> (i32, i32) {
    %c0_i32 = arith.constant 0 : i32
    %c0_i32_0 = arith.constant 0 : i32
    %c0_i32_1 = arith.constant 0 : i32
    return %c0_i32, %c0_i32_0 : i32, i32
  }
  func.func @transform_5(%arg0: i32) -> (i32, i32) {
    %c0_i32 = arith.constant 0 : i32
    %c0_i32_0 = arith.constant 0 : i32
    return %arg0, %c0_i32 : i32, i32
  }
  func.func @transform_6(%arg0: i32) -> (i32, i32) {
    %c0_i32 = arith.constant 0 : i32
    %c0_i32_0 = arith.constant 0 : i32
    %c0_i32_1 = arith.constant 0 : i32
    return %c0_i32, %c0_i32_0 : i32, i32
  }
  func.func @transform_7(%arg0: i32) -> (i32, i32) {
    %c0_i32 = arith.constant 0 : i32
    %c0_i32_0 = arith.constant 0 : i32
    %c0_i32_1 = arith.constant 0 : i32
    return %c0_i32, %c0_i32_0 : i32, i32
  }
  func.func @transform_8(%arg0: i32) -> (i32, i32) {
    %c0_i32 = arith.constant 0 : i32
    %c0_i32_0 = arith.constant 0 : i32
    %c0_i32_1 = arith.constant 0 : i32
    return %c0_i32, %c0_i32_0 : i32, i32
  }
  func.func @transform_9(%arg0: i32) -> (i32, i32) {
    %c0_i32 = arith.constant 0 : i32
    %c0_i32_0 = arith.constant 0 : i32
    return %arg0, %c0_i32 : i32, i32
  }
}

module attributes {stable_mosaic.version = 14 : i64} {
  func.func @_tc_layer_body(%arg0: i32, %arg1: memref<1000x128xf32, #tpu.memory_space<vmem>>, %arg2: memref<1000x128xf32, #tpu.memory_space<vmem>>, %arg3: memref<1000x128xf32, #tpu.memory_space<vmem>>, %arg4: memref<1000x256xf32, #tpu.memory_space<vmem>>, %arg5: memref<256x128xf32, #tpu.memory_space<vmem>>, %arg6: memref<1000x1xf32, #tpu.memory_space<vmem>>, %arg7: memref<128x128xf32, #tpu.memory_space<vmem>>, %arg8: memref<128x128xf32, #tpu.memory_space<vmem>>, %arg9: memref<128x128xf32, #tpu.memory_space<vmem>>, %arg10: memref<1000x128xf32, #tpu.memory_space<vmem>>) attributes {dimension_semantics = [#tpu.dimension_semantics<arbitrary>], iteration_bounds = array<i64: 10>, scalar_prefetch = 0 : i64, scratch_operands = 0 : i64, tpu.core_type = #tpu.core_type<tc>, window_params = [{transform_indices = @transform_0, window_bounds = array<i64: 1000, 128>}, {transform_indices = @transform_1, window_bounds = array<i64: 1000, 128>}, {transform_indices = @transform_2, window_bounds = array<i64: 1000, 128>}, {transform_indices = @transform_3, window_bounds = array<i64: 1000, 256>}, {pipeline_mode = #tpu.pipeline_mode<synchronous>, transform_indices = @transform_4, window_bounds = array<i64: 256, 128>}, {transform_indices = @transform_5, window_bounds = array<i64: 1000, 1>}, {pipeline_mode = #tpu.pipeline_mode<synchronous>, transform_indices = @transform_6, window_bounds = array<i64: 128, 128>}, {pipeline_mode = #tpu.pipeline_mode<synchronous>, transform_indices = @transform_7, window_bounds = array<i64: 128, 128>}, {pipeline_mode = #tpu.pipeline_mode<synchronous>, transform_indices = @transform_8, window_bounds = array<i64: 128, 128>}, {transform_indices = @transform_9, window_bounds = array<i64: 1000, 128>}]} {
    %get3A = arith.constant 0 : index
    %get3A_0 = arith.constant 0 : index
    %get3A_1 = vector.load %arg1[%get3A, %get3A_0] : memref<1000x128xf32, #tpu.memory_space<vmem>>, vector<1000x128xf32>
    %get3A_2 = arith.constant 0 : index
    %get3A_3 = arith.constant 0 : index
    %get3A_4 = vector.load %arg2[%get3A_2, %get3A_3] : memref<1000x128xf32, #tpu.memory_space<vmem>>, vector<1000x128xf32>
    %add3A = arith.addf %get3A_1, %get3A_4 : vector<1000x128xf32>
    %get3A_5 = arith.constant 0 : index
    %get3A_6 = arith.constant 0 : index
    %get3A_7 = vector.load %arg5[%get3A_5, %get3A_6] : memref<256x128xf32, #tpu.memory_space<vmem>>, vector<256x128xf32>
    %get3A_8 = arith.constant 0 : index
    %get3A_9 = arith.constant 0 : index
    %get3A_10 = vector.load %arg7[%get3A_8, %get3A_9] : memref<128x128xf32, #tpu.memory_space<vmem>>, vector<128x128xf32>
    %dot_general3A = arith.constant dense<0.000000e+00> : vector<256x128xf32>
    %dot_general3A_11 = tpu.matmul %get3A_7, %get3A_10, %dot_general3A {dimension_numbers = #tpu.dot_dimension_numbers<[1], [0], [0], [1], [0, 0, 1, 1], [], []>, transpose_lhs_hint = false} : vector<256x128xf32>, vector<128x128xf32>, vector<256x128xf32> -> vector<256x128xf32>
    %get3A_12 = arith.constant 0 : index
    %get3A_13 = arith.constant 0 : index
    %get3A_14 = vector.load %arg7[%get3A_12, %get3A_13] : memref<128x128xf32, #tpu.memory_space<vmem>>, vector<128x128xf32>
    %dot_general3A_15 = arith.constant dense<0.000000e+00> : vector<1000x128xf32>
    %dot_general3A_16 = tpu.matmul %add3A, %get3A_14, %dot_general3A_15 {dimension_numbers = #tpu.dot_dimension_numbers<[1], [0], [0], [1], [0, 0, 1, 1], [], []>, transpose_lhs_hint = false} : vector<1000x128xf32>, vector<128x128xf32>, vector<1000x128xf32> -> vector<1000x128xf32>
    %get3A_17 = arith.constant 0 : index
    %get3A_18 = arith.constant 0 : index
    %get3A_19 = vector.load %arg4[%get3A_17, %get3A_18] : memref<1000x256xf32, #tpu.memory_space<vmem>>, vector<1000x256xf32>
    %dot_general3A_20 = arith.constant dense<0.000000e+00> : vector<1000x128xf32>
    %dot_general3A_21 = tpu.matmul %get3A_19, %dot_general3A_11, %dot_general3A_20 {dimension_numbers = #tpu.dot_dimension_numbers<[1], [0], [0], [1], [0, 0, 1, 1], [], []>, transpose_lhs_hint = false} : vector<1000x256xf32>, vector<256x128xf32>, vector<1000x128xf32> -> vector<1000x128xf32>
    %add3A_22 = arith.addf %dot_general3A_16, %dot_general3A_21 : vector<1000x128xf32>
    %get3A_23 = arith.constant 0 : index
    %get3A_24 = arith.constant 0 : index
    %get3A_25 = vector.load %arg6[%get3A_23, %get3A_24] : memref<1000x1xf32, #tpu.memory_space<vmem>>, vector<1000x1xf32>
    %mul3A = vector.broadcast %get3A_25 : vector<1000x1xf32> to vector<1000x128xf32>
    %mul3A_26 = arith.mulf %add3A_22, %mul3A : vector<1000x128xf32>
    %get3A_27 = arith.constant 0 : index
    %get3A_28 = arith.constant 0 : index
    %get3A_29 = vector.load %arg4[%get3A_27, %get3A_28] : memref<1000x256xf32, #tpu.memory_space<vmem>>, vector<1000x256xf32>
    %reduce_sum3A = arith.constant dense<0.000000e+00> : vector<1000xf32>
    %reduce_sum3A_30 = vector.multi_reduction <add>, %get3A_29, %reduce_sum3A [1] : vector<1000x256xf32> to vector<1000xf32>
    %broadcast_in_dim3A = vector.shape_cast %reduce_sum3A_30 : vector<1000xf32> to vector<1000x1xf32>
    %get3A_31 = arith.constant 0 : index
    %get3A_32 = arith.constant 0 : index
    %get3A_33 = vector.load %arg3[%get3A_31, %get3A_32] : memref<1000x128xf32, #tpu.memory_space<vmem>>, vector<1000x128xf32>
    %gt3A = arith.constant 0.000000e+00 : f32
    %gt3A_34 = vector.broadcast %gt3A : f32 to vector<1000x1xf32>
    %gt3A_35 = arith.cmpf ogt, %broadcast_in_dim3A, %gt3A_34 : vector<1000x1xf32>
    %get3A_36 = arith.constant 0 : index
    %get3A_37 = arith.constant 0 : index
    %get3A_38 = vector.load %arg8[%get3A_36, %get3A_37] : memref<128x128xf32, #tpu.memory_space<vmem>>, vector<128x128xf32>
    %dot_general3A_39 = arith.constant dense<0.000000e+00> : vector<1000x128xf32>
    %dot_general3A_40 = tpu.matmul %get3A_33, %get3A_38, %dot_general3A_39 {dimension_numbers = #tpu.dot_dimension_numbers<[1], [0], [0], [1], [0, 0, 1, 1], [], []>, transpose_lhs_hint = false} : vector<1000x128xf32>, vector<128x128xf32>, vector<1000x128xf32> -> vector<1000x128xf32>
    %get3A_41 = arith.constant 0 : index
    %get3A_42 = arith.constant 0 : index
    %get3A_43 = vector.load %arg9[%get3A_41, %get3A_42] : memref<128x128xf32, #tpu.memory_space<vmem>>, vector<128x128xf32>
    %dot_general3A_44 = arith.constant dense<0.000000e+00> : vector<1000x128xf32>
    %dot_general3A_45 = tpu.matmul %get3A_33, %get3A_43, %dot_general3A_44 {dimension_numbers = #tpu.dot_dimension_numbers<[1], [0], [0], [1], [0, 0, 1, 1], [], []>, transpose_lhs_hint = false} : vector<1000x128xf32>, vector<128x128xf32>, vector<1000x128xf32> -> vector<1000x128xf32>
    %broadcast_in_dim3A_46 = vector.shape_cast %gt3A_35 : vector<1000x1xi1> to vector<1000x1xi1>
    %broadcast_in_dim3A_47 = vector.broadcast %broadcast_in_dim3A_46 : vector<1000x1xi1> to vector<1000x128xi1>
    %select_n3A = arith.select %broadcast_in_dim3A_47, %dot_general3A_40, %dot_general3A_45 : vector<1000x128xi1>, vector<1000x128xf32>
    %add3A_48 = arith.addf %mul3A_26, %select_n3A : vector<1000x128xf32>
    %ge3A = arith.constant 0.000000e+00 : f32
    %ge3A_49 = vector.broadcast %ge3A : f32 to vector<1000x128xf32>
    %ge3A_50 = arith.cmpf oge, %add3A_48, %ge3A_49 : vector<1000x128xf32>
    %mul3A_51 = arith.constant 0.229166672 : f32
    %mul3A_52 = vector.broadcast %mul3A_51 : f32 to vector<1000x128xf32>
    %mul3A_53 = arith.mulf %add3A_48, %mul3A_52 : vector<1000x128xf32>
    %select_n3A_54 = arith.select %ge3A_50, %add3A_48, %mul3A_53 : vector<1000x128xi1>, vector<1000x128xf32>
    %swap3A = arith.constant 0 : index
    %swap3A_55 = arith.constant 0 : index
    %swap3A_56 = vector.load %arg10[%swap3A, %swap3A_55] : memref<1000x128xf32, #tpu.memory_space<vmem>>, vector<1000x128xf32>
    tpu.vector_store %arg10[%swap3A, %swap3A_55], %select_n3A_54 {strides = array<i32>} : memref<1000x128xf32, #tpu.memory_space<vmem>>, vector<1000x128xf32>,
    return
  }
  func.func @transform_0(%arg0: i32) -> (i32, i32) {
    %c0_i32 = arith.constant 0 : i32
    %c0_i32_0 = arith.constant 0 : i32
    return %arg0, %c0_i32 : i32, i32
  }
  func.func @transform_1(%arg0: i32) -> (i32, i32) {
    %c0_i32 = arith.constant 0 : i32
    %c0_i32_0 = arith.constant 0 : i32
    return %arg0, %c0_i32 : i32, i32
  }
  func.func @transform_2(%arg0: i32) -> (i32, i32) {
    %c0_i32 = arith.constant 0 : i32
    %c0_i32_0 = arith.constant 0 : i32
    return %arg0, %c0_i32 : i32, i32
  }
  func.func @transform_3(%arg0: i32) -> (i32, i32) {
    %c0_i32 = arith.constant 0 : i32
    %c0_i32_0 = arith.constant 0 : i32
    return %arg0, %c0_i32 : i32, i32
  }
  func.func @transform_4(%arg0: i32) -> (i32, i32) {
    %c0_i32 = arith.constant 0 : i32
    %c0_i32_0 = arith.constant 0 : i32
    %c0_i32_1 = arith.constant 0 : i32
    return %c0_i32, %c0_i32_0 : i32, i32
  }
  func.func @transform_5(%arg0: i32) -> (i32, i32) {
    %c0_i32 = arith.constant 0 : i32
    %c0_i32_0 = arith.constant 0 : i32
    return %arg0, %c0_i32 : i32, i32
  }
  func.func @transform_6(%arg0: i32) -> (i32, i32) {
    %c0_i32 = arith.constant 0 : i32
    %c0_i32_0 = arith.constant 0 : i32
    %c0_i32_1 = arith.constant 0 : i32
    return %c0_i32, %c0_i32_0 : i32, i32
  }
  func.func @transform_7(%arg0: i32) -> (i32, i32) {
    %c0_i32 = arith.constant 0 : i32
    %c0_i32_0 = arith.constant 0 : i32
    %c0_i32_1 = arith.constant 0 : i32
    return %c0_i32, %c0_i32_0 : i32, i32
  }
  func.func @transform_8(%arg0: i32) -> (i32, i32) {
    %c0_i32 = arith.constant 0 : i32
    %c0_i32_0 = arith.constant 0 : i32
    %c0_i32_1 = arith.constant 0 : i32
    return %c0_i32, %c0_i32_0 : i32, i32
  }
  func.func @transform_9(%arg0: i32) -> (i32, i32) {
    %c0_i32 = arith.constant 0 : i32
    %c0_i32_0 = arith.constant 0 : i32
    return %arg0, %c0_i32 : i32, i32
  }
}

</mosaic_0001>

<sc_bundles>
// kernel: kernel.10.cloned.1.call-start
scs
__scs_entry_jumppad:
0x0: {  	(pc) =	sbr.rel $0x88, $3  }
0x1: {  	(tag) =	ssettag $0x0;
	lr =	simm.s32 $0x1  }
0x2: {  	[smem:$0x3F96] =	sst lr;
	_ =	strace $0xD0000000  }
0x3: {  	_ = 	snop  }
0x4: {  	_ = 	snop  }
0x5: {  	_ = 	snop  }
0x6: {  	_ = 	snop  }
0x7: {  	_ = 	snop  }
__scs_overlays_trampoline_lowered:
0x8: {  	[smem:$0x3FA5] =	sst s0  }
0x9: {  	[smem:$0x3FA6] =	sst s1  }
0xa: {  	[smem:$0x3FA7] =	sst s2  }
0xb: {  	[smem:$0x3FA8] =	sst s3  }
0xc: {  	[smem:$0x3FA9] =	sst s4  }
0xd: {  	[smem:$0x3FAA] =	sst s5  }
0xe: {  	[smem:$0x3FAB] =	sst s6  }
0xf: {  	[smem:$0x3FAC] =	sst s7  }
0x10: {  	[smem:$0x3FAD] =	sst s8  }
0x11: {  	[smem:$0x3FAE] =	sst s9;
	s0 =	simm.s32 @!p0 $0x0  }
0x12: {  	s1 =	sld [smem:$0x3F94];
	s0 =	simm.s32 @p0 $0x1  }
0x13: {  	[smem:$0x3FAF] =	sst s0;
	s0 =	simm.s32 @!p1 $0x0  }
0x14: {  	s2 =	sld [smem:$0x3F93];
	s0 =	simm.s32 @p1 $0x1  }
0x15: {  	[smem:$0x3FB0] =	sst s0;
	s0 =	simm.s32 @!p2 $0x0  }
0x16: {  	s3 =	sld [smem:$0x3FDB];
	s0 =	simm.s32 @p2 $0x1  }
0x17: {  	s4 =	simm.s32 $0x1BF5;
	[smem:$0x3FB2] =	sst s0  }
0x18: {  	s0 =	sld [smem:$0x3F95];
	_ =	swait.ge [sflag:s4], $0x0  }
0x19: {  	s7 =	sld [smem:$0x3F96]  }
0x1a: {  	s8 =	sadd.s32 $0xFFFFE003, lr  }
0x1b: {  	s9 =	sadd.s32 $0xFFFFFEF7, lr;
	s5 =	simm.s32 $0xFFFFFFFF;
	p2 =	slt.u32 s8, $0xFFFFF086  }
0x1c: {  	p1 =	slt.u32 s9, $0xF7A;
	s5 =	simm.s32 @!p2 $0x0  }
0x1d: {  	s5 =	simm.s32 @p1 $0x1;
	p0 =	seq.s32 s7, s2  }
0x1e: {  	s7 =	smul.u32 @!p0 $0xF7A, s2;
	p2 =	seq.s32 @!p0 s5, $0x0  }
0x1f: {  	s9 =	smul.u32 $0xF7A, s1;
	s8 =	simm.s32 @!p0 $0x1BF5;
	p2 =	por !p2, p0  }
0x20: {  	[sflag:s8] =	ssyncset.s32 @!p0 $0xFFFFF086;
	s6 =	sadd.s32 @!p0 s3, s7;
	s7 =	simm.s32 @!p0 $0x108  }
0x21: {  	s3 =	sadd.s32 s3, s9;
	s6 =	sadd.s32 @!p0 $0x88, s6;
	s7 =	simm.s32 @p2 $0x1082  }
0x22: {  	[simem:s7], [sflag:s8] =	dma.local @!p0 [hbm:s6], $0xF7A  }
0x23: {  	s9 =	sor.u32 $0xD0000000, s2;
	s6 =	simm.s32 $0x108;
	_ =	swait.ge @!p0 [sflag:s8], $0x0  }
0x24: {  	s3 =	sadd.s32 $0x88, s3;
	s6 =	simm.s32 @!p1 $0x1082;
	[sflag:s4] =	ssyncset.s32 $0xFFFFF086  }
0x25: {  	[simem:s6], [sflag:s4] =	dma.local [hbm:s3], $0xF7A  }
0x26: {  	[smem:$0x3F96] =	sst s1;
	(tag) =	ssettag s2;
	_ =	strace s9  }
0x27: {  	s1 =	sld [smem:$0x3FA6]  }
0x28: {  	s2 =	sld [smem:$0x3FA7]  }
0x29: {  	s4 =	sld [smem:$0x3FA9]  }
0x2a: {  	p0 =	seq.s32 s5, $0x0;
	s5 =	sld [smem:$0x3FAA]  }
0x2b: {  	s6 =	sld [smem:$0x3FAB]  }
0x2c: {  	s7 =	sld [smem:$0x3FAC]  }
0x2d: {  	s3 =	simm.s32 $0x108;
	s8 =	sld [smem:$0x3FAD]  }
0x2e: {  	s3 =	simm.s32 @!p0 $0x1082;
	s9 =	sld [smem:$0x3FAE]  }
0x2f: {  	lr =	sadd.s32 s0, s3;
	s0 =	sld [smem:$0x3FA5]  }
0x30: {  	s3 =	sld [smem:$0x3FA8]  }
0x31: {  	[smem:$0x3FB1] =	sst s10  }
0x32: {  	s10 =	sld [smem:$0x3FAF];
	_ =	sdelay $0x3  }
0x33: {  	p0 =	seq.s32 s10, $0x1;
	s10 =	sld [smem:$0x3FB1];
	_ =	sdelay $0x3  }
0x34: {  	[smem:$0x3FB1] =	sst s10  }
0x35: {  	s10 =	sld [smem:$0x3FB0];
	_ =	sdelay $0x3  }
0x36: {  	p1 =	seq.s32 s10, $0x1;
	s10 =	sld [smem:$0x3FB1];
	_ =	sdelay $0x3  }
0x37: {  	[smem:$0x3FB1] =	sst s10  }
0x38: {  	s10 =	sld [smem:$0x3FB2]  }
0x39: {  	_ = 	snop;
	(pc) =	sbr.ind lr, $3  }
0x3a: {  	_ = 	snop  }
0x3b: {  	_ = 	snop  }
0x3c: {  	p2 =	seq.s32 s10, $0x1;
	s10 =	sld [smem:$0x3FB1]  }
0x3d: {  	_ =	shalt  }
0x3e: {  	_ =	shalt  }
0x3f: {  	_ =	shalt  }
0x40: {  	_ =	shalt  }
0x41: {  	_ =	shalt  }
0x42: {  	_ =	shalt  }
0x43: {  	_ =	shalt  }
0x44: {  	_ =	shalt  }
0x45: {  	_ =	shalt  }
0x46: {  	_ =	shalt  }
0x47: {  	_ =	shalt  }
0x48: {  	_ =	shalt  }
0x49: {  	_ =	shalt  }
0x4a: {  	_ =	shalt  }
0x4b: {  	_ =	shalt  }
0x4c: {  	_ =	shalt  }
0x4d: {  	_ =	shalt  }
0x4e: {  	_ =	shalt  }
0x4f: {  	_ =	shalt  }
0x50: {  	_ =	shalt  }
0x51: {  	_ =	shalt  }
0x52: {  	_ =	shalt  }
0x53: {  	_ =	shalt  }
0x54: {  	_ =	shalt  }
0x55: {  	_ =	shalt  }
0x56: {  	_ =	shalt  }
0x57: {  	_ =	shalt  }
0x58: {  	_ =	shalt  }
0x59: {  	_ =	shalt  }
0x5a: {  	_ =	shalt  }
0x5b: {  	_ =	shalt  }
0x5c: {  	_ =	shalt  }
0x5d: {  	_ =	shalt  }
0x5e: {  	_ =	shalt  }
0x5f: {  	_ =	shalt  }
0x60: {  	_ =	shalt  }
0x61: {  	_ =	shalt  }
0x62: {  	_ =	shalt  }
0x63: {  	_ =	shalt  }
0x64: {  	_ =	shalt  }
0x65: {  	_ =	shalt  }
0x66: {  	_ =	shalt  }
0x67: {  	_ =	shalt  }
0x68: {  	_ =	shalt  }
0x69: {  	_ =	shalt  }
0x6a: {  	_ =	shalt  }
0x6b: {  	_ =	shalt  }
0x6c: {  	_ =	shalt  }
0x6d: {  	_ =	shalt  }
0x6e: {  	_ =	shalt  }
0x6f: {  	_ =	shalt  }
0x70: {  	_ =	shalt  }
0x71: {  	_ =	shalt  }
0x72: {  	_ =	shalt  }
0x73: {  	_ =	shalt  }
0x74: {  	_ =	shalt  }
0x75: {  	_ =	shalt  }
0x76: {  	_ =	shalt  }
0x77: {  	_ =	shalt  }
0x78: {  	_ =	shalt  }
0x79: {  	_ =	shalt  }
0x7a: {  	_ =	shalt  }
0x7b: {  	_ =	shalt  }
0x7c: {  	_ =	shalt  }
0x7d: {  	_ =	shalt  }
0x7e: {  	_ =	shalt  }
0x7f: {  	_ =	shalt  }
0x80: {  	_ =	shalt  }
0x81: {  	_ =	shalt  }
0x82: {  	_ =	shalt  }
0x83: {  	_ =	shalt  }
0x84: {  	_ =	shalt  }
0x85: {  	_ =	shalt  }
0x86: {  	_ =	shalt  }
0x87: {  	_ =	shalt  }
.Lfunc_end0:
.L_simem_size_0:
called_computation.1_lowered:
.L_overlay_start_0:
0x88: {  	s2 =	sld [smem:$0x3FD9]  }
0x89: {  	s3 =	sld [smem:$0x3FFE];
	_ =	sdelay $0x1  }
0x8a: {  	s1 =	srdreg.scid  }
0x8b: {  	s0 =	sand.u32 $0x1, s1  }
0x8c: {  	s17 =	sshll.u32 s0, $0xA;
	s2 =	sadd.s32 s3, s2  }
0x8d: {  	s2 =	sadd.s32 s2, s17  }
0x8e: {  	[smem:$0x3FBD] =	sst s2  }
0x8f: {  	_ = 	snop  }
0x90: {  	s18 =	sld [smem:$0x3FC9];
	(tm) =	ssettm $0x1  }
0x91: {  	s19 =	sld [smem:$0x3FFB];
	_ =	sdelay $0x3  }
0x92: {  	_ =	strace s19  }
0x93: {  	s2 =	sld [smem:$0x3FFC];
	_ =	sdelay $0x3  }
0x94: {  	_ =	strace s2  }
0x95: {  	s2 =	sld [smem:$0x3FFD];
	_ =	sdelay $0x3  }
0x96: {  	_ =	strace s2  }
0x97: {  	_ =	strace $0x8FFFFFFF  }
0x98: {  	s20 =	sld [smem:$0x3FDB];
	_ =	sdelay $0x1  }
0x99: {  	s4 =	simm.s32 $_scs_section_size  }
0x9a: {  	s5 =	simm.s32 $_size__tile_overlayer_lowered;
	s6 =	simm.s32 $_tile_overlayer_lowered  }
0x9b: {  	s7 =	simm.s32 $0x1BFF;
	s21 =	sshll.u32 s6, $0x1;
	s4 =	sadd.s32 s4, s20  }
0x9c: {  	s22 =	simm.s32 $0x0;
	s5 =	sshll.u32 s5, $0x1;
	s6 =	sadd.s32 s21, s4  }
0x9d: {  	[timem:s22], [sflag:s7] =	dma.local [hbm:s6], s5  }
0x9e: {  	_ =	swait.ge [sflag:s7], s5  }
0x9f: {  	s5 =	ssub.s32 $0x0, s5;
	[sflag:s7] =	ssyncset.done $0x0  }
0xa0: {  	[sflag:s7] =	ssyncadd.s32 s5;
	_ =	sdelay $0x1  }
0xa1: {  	s23 =	simm.s32 $0x1B8B  }
0xa2: {  	_ =	swait.ge [sflag:s23], $0x1  }
0xa3: {  	[sflag:s23] =	ssyncset.done $0x0  }
0xa4: {  	[sflag:s23] =	ssyncadd.s32 $0xFFFFFFFF  }
0xa5: {  	s5 =	sld [smem:$0x0]  }
0xa6: {  	s6 =	sand.u32 $0xFFFFFFFE, s1  }
0xa7: {  	p0 =	sne.s32 s1, s6  }
0xa8: {  	s6 =	sshll.u32 @p0 s6, $0xE  }
0xa9: {  	s6 =	sadd.s32 @p0 $0x11B8D, s6;
	s7 =	sshll.u32 @p0 s5, $0x11  }
0xaa: {  	s6 =	sor.u32 @p0 s7, s6  }
0xab: {  	[sflag:s6] =	ssyncadd.remote.s32 @p0 $0x1;
	_ =	sdelay $0x1  }
0xac: {  	s6 =	simm.s32 @p0 $0x1B8D  }
0xad: {  	_ =	swait.eq @p0 [sflag:s6], $0x1  }
0xae: {  	[sflag:s6] =	ssyncadd.s32 @p0 $0xFFFFFFFF  }
0xaf: {  	s7 =	sshll.u32 @!p0 s1, $0xE  }
0xb0: {  	s7 =	sor.u32 @!p0 $0x4000, s7;
	s6 =	simm.s32 @!p0 $0x1B8D  }
0xb1: {  	s5 =	sshll.u32 @!p0 s5, $0x11;
	s7 =	sadd.s32 @!p0 $0x11B8D, s7;
	_ =	swait.eq @!p0 [sflag:s6], $0x1  }
0xb2: {  	s5 =	sor.u32 @!p0 s5, s7;
	[sflag:s6] =	ssyncadd.s32 @!p0 $0xFFFFFFFF  }
0xb3: {  	s25 =	simm.s32 $0x1B8E;
	s24 =	sld [smem:$0x3FFE];
	[sflag:s5] =	ssyncadd.remote.s32 @!p0 $0x1  }
0xb4: {  	s26 =	simm.s32 $execute0_lowered;
	[smem:$0x3FD2] =	sst s25  }
0xb5: {  	s6 =	sshll.u32 s26, $0x1;
	_ =	strace $0x80000049;
	[dreg:$0x1] =	wrdreg $0xFFFFFFFF  }
0xb6: {  	s28 =	simm.s32 $_size_execute0_lowered;
	s4 =	sadd.s32 s4, s6;
	[dreg:$0x0] =	wrdreg $0x0  }
0xb7: {  	s6 =	sshll.u32 s28, $0x1;
	[dreg:$0x2] =	wrdreg s4  }
0xb8: {  	[dreg:$0x3] =	wrdreg s6  }
0xb9: {  	[dreg:$0x4] =	wrdreg $0xC0  }
0xba: {  	_ =	task [dreg:s22], $0x5FFFF  }
0xbb: {  	[dreg:$0x1] =	wrdreg $0xFFFFFFFF  }
0xbc: {  	[dreg:$0x0] =	wrdreg $0x60  }
0xbd: {  	[dreg:$0x2] =	wrdreg s24  }
0xbe: {  	[dreg:$0x3] =	wrdreg s18  }
0xbf: {  	[dreg:$0x4] =	wrdreg $0xA8000  }
0xc0: {  	[dreg:$0x5] =	wrdreg $0xA  }
0xc1: {  	_ =	task.clear_ibuf [dreg:s22], $0x6FFFF;
	_ =	strace $0x90000049  }
0xc2: {  	s29 =	simm.s32 $0xA;
	_ =	strace $0x8000004B  }
0xc3: {  	_ =	swait.ge [sflag:s29], $0x1  }
0xc4: {  	[sflag:s29] =	ssyncadd.s32 $0xFFFFFFFF  }
0xc5: {  	_ =	strace $0x9000004B  }
0xc6: {  	_ =	sfence  }
0xc7: {  	s30 =	sld [smem:$0x0];
	_ =	sdelay $0x2  }
0xc8: {  	s31 =	sshll.u32 s1, $0xD;
	s1 =	sshrl.u32 s1, $0x2  }
0xc9: {  	s4 =	sand.u32 $0x4000, s31;
	s1 =	sadd.s32 s1, s30  }
0xca: {  	s0 =	sor.u32 s4, s0;
	s1 =	sshll.u32 s1, $0x11  }
0xcb: {  	s0 =	sor.u32 s1, s0  }
0xcc: {  	s0 =	sadd.s32 $0x8F2B, s0  }
0xcd: {  	[sflag:s0] =	ssyncadd.remote.s32 $0x1  }
0xce: {  	_ =	sfence.sel $0xFFFF  }
0xcf: {  	[dreg:$0x0] =	wrdreg $0xFFFFFFFF;
	(pc) =	sbr.abs _section_cstart, $3  }
0xd0: {  	[dreg:$0x1] =	wrdreg $0xFFFFFFFF  }
0xd1: {  	_ =	task.clear_ibuf [dreg:s22], $0x2FFFF;
	_ =	strace $0x9FFFFFFF  }
0xd2: {  	(tm) =	ssettm $0x7FFFFFFF  }
0xd3: {  	_ =	shalt  }
tec
execute0_lowered:
.L_overlay_start_1:
0x0: {  	(tag) =	ssettag $0x1  }
0x1: {  	s7 =	rddreg [dreg:$0x0]  }
0x2: {  	s1 =	rddreg [dreg:$0x1]  }
0x3: {  	s2 =	rddreg [dreg:$0x2]  }
0x4: {  	s0 =	rddreg [dreg:$0x3];
	s4 =	simm.s32 $0x0  }
0x5: {  	s5 =	srdreg.scid;
	s3 =	stileid.u32;
	s18 =	simm.s32 $0x8000  }
0x6: {  	s19 =	simm.s32 $0x0;
	[smem:$0x7FF] =	sst s4;
	s9 =	smul.u32 $0x13800, s3  }
0x7: {  	s5 =	sand.u32 $0x1, s5;
	s6 =	sshll.u32 s3, $0xC;
	s11 =	smul.u32 $0x4E000, s3  }
0x8: {  	s13 =	sadd.s32 $0xD6000, s7;
	s29 =	sshll.u32 s3, $0x6;
	s16 =	sadd.s32 $0x138000, s2  }
0x9: {  	p0 =	sne.s32 s3, $0xF;
	s8 =	sshll.u32 s5, $0xB;
	_ =	strace $0x8000004A  }
0xa: {  	s10 =	ssub.s32 $0x2, s5;
	s30 =	smul.u32 $0x138800, s5;
	s6 =	sor.u32 s8, s6  }
0xb: {  	s24 =	sshrl.u32 s9, $0x3;
	s26 =	sshrl.u32 s10, $0x1;
	s28 =	sshrl.u32 s11, $0x2  }
0xc: {  	s12 =	sadd.s32 s6, s7;
	s25 =	sadd.s32 s24, s7;
	s14 =	ssub.s32 s10, s26  }
0xd: {  	s15 =	sadd.s32 s28, s2;
	s6 =	sor.u32 $0x1C01, s29;
	s7 =	sadd.s32 $0xD5E00, s7  }
0xe: {  	s9 =	sadd.s32 s9, s30;
	s10 =	sshrl.u32 s30, $0x3;
	s5 =	sadd.s32 $0xAEE00, s25  }
0xf: {  	s8 =	sadd.s32 $0x9EE00, s12;
	s31 =	sshrl.u32 s9, $0x3;
	s17 =	sadd.s32 s13, s10  }
0x10: {  	s9 =	sadd.s32 $0x8EE00, s12;
	s12 =	smax.u32 s14, $0x1;
	s14 =	simm.s32 $0x1  }
0x11: {  	s10 =	sadd.s32 s13, s31;
	s11 =	sadd.s32 $0x27000, s17;
	s13 =	sshrl.u32 s15, $0x3  }
0x12: {  	s15 =	sshrl.u32 @!p0 s16, $0x3;
	s16 =	simm.s32 $0x4000;
	s17 =	simm.s32 $0x50  }
.LBB2_1:
0x13: {  	[spmem:s13], [sflag:s6] =	dma.local [hbm:s5], $0x2700  }
0x14: {  	_ =	swait.ge [sflag:s14], $0x2700  }
0x15: {  	[sflag:s14] =	ssyncset.done $0x0  }
0x16: {  	s20 =	simm.s32 @!p0 $0x1;
	[sflag:s14] =	ssyncadd.s32 $0xFFFFD900  }
0x17: {  	[spmem:s15], [sflag:s6] =	dma.local @!p0 [hbm:s7], $0x200  }
0x18: {  	_ =	swait.ge @!p0 [sflag:s20], $0x200  }
0x19: {  	[sflag:s20] =	ssyncset.done @!p0 $0x0  }
0x1a: {  	[sflag:s20] =	ssyncadd.s32 @!p0 $0xFFFFFE00  }
0x1b: {  	[tilespmem:s4], [sflag:$0x1] =	stream.linear.gather [hbm4b:s8+s4], $0x3E80, $0x38;
	[tilespmem:$0x1E100] =	vst v63  }
0x1c: {  	_ =	swait.ge [sflag:s14], $0x3E80  }
0x1d: {  	[sflag:s14] =	ssyncset.done $0x0  }
0x1e: {  	[sflag:s14] =	ssyncadd.s32 $0xFFFFC180  }
0x1f: {  	[tilespmem:s16], [sflag:$0x1] =	stream.linear.gather [hbm4b:s9+s4], $0x3E80, $0x38;
	[tilespmem:$0x1E100] =	vst v63  }
0x20: {  	_ =	swait.ge [sflag:s14], $0x3E80  }
0x21: {  	[sflag:s14] =	ssyncset.done $0x0  }
0x22: {  	[sflag:s14] =	ssyncadd.s32 $0xFFFFC180  }
0x23: {  	s30 =	simm.s32 $0x0;
	[bflag:$0x0] =	sbarrier.arrive $0xFFFF  }
0x24: {  	[tilespmem:s18], [sflag:$0x1] =	stream.indirect.gather [hbm4b:s1+s17], $0x80, s30, s17, $0xb8;
	[tilespmem:$0x1E100] =	vst v63  }
0x25: {  	_ =	swait.ge [sflag:s14], $0x2800  }
0x26: {  	[sflag:s14] =	ssyncset.done $0x0  }
0x27: {  	s31 =	simm.s32 $0x4000;
	[sflag:s14] =	ssyncadd.s32 $0xFFFFD800  }
0x28: {  	[spmem:s2] =	stream.indirect.scatter.add.f32 [tilespmem:s18], [sflag:$0x1], $0x80, s31, s17, $0xb8;
	[tilespmem:$0x1E100] =	vst v63  }
0x29: {  	_ =	swait.ge [sflag:s14], $0x2800  }
0x2a: {  	s21 =	simm.s32 $0x400;
	s20 =	simm.s32 $0x200;
	[sflag:s14] =	ssyncset.done $0x0  }
.LBB2_2:
0x2b: {  	s22 =	sshra.s32 s20, $0x2  }
0x2c: {  	[sflag:s14] =	ssyncadd.s32 $0xFFFFD800;
	s20 =	smov.u32 s21;
	s23 =	sadd.s32 $0x200, s21  }
0x2d: {  	[tilespmem:s18], [sflag:$0x1] =	stream.indirect.gather [hbm4b:s1+s17], $0x80, s22, s17, $0xb8;
	[tilespmem:$0x1E100] =	vst v63  }
0x2e: {  	p1 =	sne.s32 s21, $0xF800;
	_ =	swait.ge [sflag:s14], $0x2800  }
.Ltmp0:
0x2f: {  	[sflag:s14] =	ssyncset.done $0x0;
	(pc) =	sbr.rel @p1 .LBB2_2-.Ltmp0, $4  }
0x30: {  	s21 =	sadd.s32 $0x4000, s22;
	[sflag:s14] =	ssyncadd.s32 $0xFFFFD800  }
0x31: {  	[spmem:s2] =	stream.indirect.scatter.add.f32 [tilespmem:s18], [sflag:$0x1], $0x80, s21, s17, $0xb8;
	[tilespmem:$0x1E100] =	vst v63  }
0x32: {  	_ =	swait.ge [sflag:s14], $0x2800  }
0x33: {  	s21 =	smov.u32 s23;
	[sflag:s14] =	ssyncset.done $0x0  }
0x34: {  	s20 =	sshra.s32 s20, $0x2;
	[sflag:s14] =	ssyncadd.s32 $0xFFFFD800  }
0x35: {  	[tilespmem:s18], [sflag:$0x1] =	stream.indirect.gather [hbm4b:s1+s17], $0x80, s20, s17, $0xb8;
	[tilespmem:$0x1E100] =	vst v63  }
0x36: {  	_ =	swait.ge [sflag:s14], $0x2800  }
0x37: {  	[sflag:s14] =	ssyncset.done $0x0  }
0x38: {  	s20 =	sadd.s32 $0x4000, s20;
	[sflag:s14] =	ssyncadd.s32 $0xFFFFD800  }
0x39: {  	[spmem:s2] =	stream.indirect.scatter.add.f32 [tilespmem:s18], [sflag:$0x1], $0x80, s20, s17, $0xb8;
	[tilespmem:$0x1E100] =	vst v63  }
0x3a: {  	_ =	swait.ge [sflag:s14], $0x2800  }
0x3b: {  	[sflag:s14] =	ssyncset.done $0x0  }
0x3c: {  	[sflag:s14] =	ssyncadd.s32 $0xFFFFD800  }
0x3d: {  	[bflag:$0x0] =	sbarrier.arrive $0xFFFF  }
0x3e: {  	[hbm:s10], [sflag:s6] =	dma.local [spmem:s13], $0x2700  }
0x3f: {  	s19 =	sadd.s32 $0x1, s19;
	_ =	swait.ge [sflag:s14], $0x2700  }
0x40: {  	p1 =	sne.s32 s19, s12;
	[sflag:s14] =	ssyncset.done $0x0  }
.Ltmp1:
0x41: {  	s20 =	simm.s32 @!p0 $0x1;
	[sflag:s14] =	ssyncadd.s32 $0xFFFFD900;
	(pc) =	sbr.rel @p1 .LBB2_1-.Ltmp1, $4  }
0x42: {  	[hbm:s11], [sflag:s6] =	dma.local @!p0 [spmem:s15], $0x100  }
0x43: {  	_ =	swait.ge @!p0 [sflag:s20], $0x100  }
0x44: {  	[sflag:s20] =	ssyncset.done @!p0 $0x0  }
0x45: {  	[sflag:s20] =	ssyncadd.s32 @!p0 $0xFFFFFF00  }
0x46: {  	_ =	sfence.sel $0x180000  }
0x47: {  	[bflag:$0x0] =	sbarrier.arrive $0xFFFF  }
0x48: {  	p0 =	sne.s32 s3, $0x0;
	_ =	strace $0x9000004A  }
0x49: {  	s0 =	sadd.s32 @!p0 $0x100000, s0;
	[bflag:$0x2] =	sbarrier.arrive $0xFFFF  }
0x4a: {  	[sflag:s0] =	ssyncadd.tile.s32 @!p0 $0x1;
	_ =	shalt  }
.Lfunc_end2:
_tile_overlayer_lowered:
.L_overlay_start_2:
0x4b: {  	(tag) =	ssettag $0x2  }
0x4c: {  	s0 =	rddreg [dreg:$0x0];
	s2 =	stileid.u32  }
0x4d: {  	s1 =	rddreg [dreg:$0x1];
	p0 =	sne.s32 s2, $0x0  }
0x4e: {  	s3 =	rddreg [dreg:$0x2];
	[bflag:$0x3] =	sbarrier.arrive $0xFFFF;
	s2 =	simm.s32 @!p0 $0x1C01  }
0x4f: {  	[timem:s3], [sflag:s2] =	dma.local @!p0 [hbm:s0], s1  }
0x50: {  	s0 =	simm.s32 @!p0 $0x1  }
0x51: {  	_ =	swait.ge @!p0 [sflag:s0], s1  }
0x52: {  	s1 =	ssub.s32 @!p0 $0x0, s1;
	[sflag:s0] =	ssyncset.done @!p0 $0x0  }
0x53: {  	[sflag:s0] =	ssyncadd.s32 @!p0 s1  }
0x54: {  	[bflag:$0x3] =	sbarrier.arrive $0xFFFF  }
0x55: {  	_ =	shalt  }

// kernel: kernel.13.cloned.1.call-start
scs
__scs_entry_jumppad:
0x0: {  	(pc) =	sbr.rel $0x88, $3  }
0x1: {  	(tag) =	ssettag $0x0;
	lr =	simm.s32 $0x1  }
0x2: {  	[smem:$0x3F96] =	sst lr;
	_ =	strace $0xD0000000  }
0x3: {  	_ = 	snop  }
0x4: {  	_ = 	snop  }
0x5: {  	_ = 	snop  }
0x6: {  	_ = 	snop  }
0x7: {  	_ = 	snop  }
__scs_overlays_trampoline_lowered:
0x8: {  	[smem:$0x3FA5] =	sst s0  }
0x9: {  	[smem:$0x3FA6] =	sst s1  }
0xa: {  	[smem:$0x3FA7] =	sst s2  }
0xb: {  	[smem:$0x3FA8] =	sst s3  }
0xc: {  	[smem:$0x3FA9] =	sst s4  }
0xd: {  	[smem:$0x3FAA] =	sst s5  }
0xe: {  	[smem:$0x3FAB] =	sst s6  }
0xf: {  	[smem:$0x3FAC] =	sst s7  }
0x10: {  	[smem:$0x3FAD] =	sst s8  }
0x11: {  	[smem:$0x3FAE] =	sst s9;
	s0 =	simm.s32 @!p0 $0x0  }
0x12: {  	s1 =	sld [smem:$0x3F94];
	s0 =	simm.s32 @p0 $0x1  }
0x13: {  	[smem:$0x3FAF] =	sst s0;
	s0 =	simm.s32 @!p1 $0x0  }
0x14: {  	s2 =	sld [smem:$0x3F93];
	s0 =	simm.s32 @p1 $0x1  }
0x15: {  	[smem:$0x3FB0] =	sst s0;
	s0 =	simm.s32 @!p2 $0x0  }
0x16: {  	s3 =	sld [smem:$0x3FDB];
	s0 =	simm.s32 @p2 $0x1  }
0x17: {  	s4 =	simm.s32 $0x1BF5;
	[smem:$0x3FB2] =	sst s0  }
0x18: {  	s0 =	sld [smem:$0x3F95];
	_ =	swait.ge [sflag:s4], $0x0  }
0x19: {  	s7 =	sld [smem:$0x3F96]  }
0x1a: {  	s8 =	sadd.s32 $0xFFFFE003, lr  }
0x1b: {  	s9 =	sadd.s32 $0xFFFFFEF7, lr;
	s5 =	simm.s32 $0xFFFFFFFF;
	p2 =	slt.u32 s8, $0xFFFFF086  }
0x1c: {  	p1 =	slt.u32 s9, $0xF7A;
	s5 =	simm.s32 @!p2 $0x0  }
0x1d: {  	s5 =	simm.s32 @p1 $0x1;
	p0 =	seq.s32 s7, s2  }
0x1e: {  	s7 =	smul.u32 @!p0 $0xF7A, s2;
	p2 =	seq.s32 @!p0 s5, $0x0  }
0x1f: {  	s9 =	smul.u32 $0xF7A, s1;
	s8 =	simm.s32 @!p0 $0x1BF5;
	p2 =	por !p2, p0  }
0x20: {  	[sflag:s8] =	ssyncset.s32 @!p0 $0xFFFFF086;
	s6 =	sadd.s32 @!p0 s3, s7;
	s7 =	simm.s32 @!p0 $0x108  }
0x21: {  	s3 =	sadd.s32 s3, s9;
	s6 =	sadd.s32 @!p0 $0x88, s6;
	s7 =	simm.s32 @p2 $0x1082  }
0x22: {  	[simem:s7], [sflag:s8] =	dma.local @!p0 [hbm:s6], $0xF7A  }
0x23: {  	s9 =	sor.u32 $0xD0000000, s2;
	s6 =	simm.s32 $0x108;
	_ =	swait.ge @!p0 [sflag:s8], $0x0  }
0x24: {  	s3 =	sadd.s32 $0x88, s3;
	s6 =	simm.s32 @!p1 $0x1082;
	[sflag:s4] =	ssyncset.s32 $0xFFFFF086  }
0x25: {  	[simem:s6], [sflag:s4] =	dma.local [hbm:s3], $0xF7A  }
0x26: {  	[smem:$0x3F96] =	sst s1;
	(tag) =	ssettag s2;
	_ =	strace s9  }
0x27: {  	s1 =	sld [smem:$0x3FA6]  }
0x28: {  	s2 =	sld [smem:$0x3FA7]  }
0x29: {  	s4 =	sld [smem:$0x3FA9]  }
0x2a: {  	p0 =	seq.s32 s5, $0x0;
	s5 =	sld [smem:$0x3FAA]  }
0x2b: {  	s6 =	sld [smem:$0x3FAB]  }
0x2c: {  	s7 =	sld [smem:$0x3FAC]  }
0x2d: {  	s3 =	simm.s32 $0x108;
	s8 =	sld [smem:$0x3FAD]  }
0x2e: {  	s3 =	simm.s32 @!p0 $0x1082;
	s9 =	sld [smem:$0x3FAE]  }
0x2f: {  	lr =	sadd.s32 s0, s3;
	s0 =	sld [smem:$0x3FA5]  }
0x30: {  	s3 =	sld [smem:$0x3FA8]  }
0x31: {  	[smem:$0x3FB1] =	sst s10  }
0x32: {  	s10 =	sld [smem:$0x3FAF];
	_ =	sdelay $0x3  }
0x33: {  	p0 =	seq.s32 s10, $0x1;
	s10 =	sld [smem:$0x3FB1];
	_ =	sdelay $0x3  }
0x34: {  	[smem:$0x3FB1] =	sst s10  }
0x35: {  	s10 =	sld [smem:$0x3FB0];
	_ =	sdelay $0x3  }
0x36: {  	p1 =	seq.s32 s10, $0x1;
	s10 =	sld [smem:$0x3FB1];
	_ =	sdelay $0x3  }
0x37: {  	[smem:$0x3FB1] =	sst s10  }
0x38: {  	s10 =	sld [smem:$0x3FB2]  }
0x39: {  	_ = 	snop;
	(pc) =	sbr.ind lr, $3  }
0x3a: {  	_ = 	snop  }
0x3b: {  	_ = 	snop  }
0x3c: {  	p2 =	seq.s32 s10, $0x1;
	s10 =	sld [smem:$0x3FB1]  }
0x3d: {  	_ =	shalt  }
0x3e: {  	_ =	shalt  }
0x3f: {  	_ =	shalt  }
0x40: {  	_ =	shalt  }
0x41: {  	_ =	shalt  }
0x42: {  	_ =	shalt  }
0x43: {  	_ =	shalt  }
0x44: {  	_ =	shalt  }
0x45: {  	_ =	shalt  }
0x46: {  	_ =	shalt  }
0x47: {  	_ =	shalt  }
0x48: {  	_ =	shalt  }
0x49: {  	_ =	shalt  }
0x4a: {  	_ =	shalt  }
0x4b: {  	_ =	shalt  }
0x4c: {  	_ =	shalt  }
0x4d: {  	_ =	shalt  }
0x4e: {  	_ =	shalt  }
0x4f: {  	_ =	shalt  }
0x50: {  	_ =	shalt  }
0x51: {  	_ =	shalt  }
0x52: {  	_ =	shalt  }
0x53: {  	_ =	shalt  }
0x54: {  	_ =	shalt  }
0x55: {  	_ =	shalt  }
0x56: {  	_ =	shalt  }
0x57: {  	_ =	shalt  }
0x58: {  	_ =	shalt  }
0x59: {  	_ =	shalt  }
0x5a: {  	_ =	shalt  }
0x5b: {  	_ =	shalt  }
0x5c: {  	_ =	shalt  }
0x5d: {  	_ =	shalt  }
0x5e: {  	_ =	shalt  }
0x5f: {  	_ =	shalt  }
0x60: {  	_ =	shalt  }
0x61: {  	_ =	shalt  }
0x62: {  	_ =	shalt  }
0x63: {  	_ =	shalt  }
0x64: {  	_ =	shalt  }
0x65: {  	_ =	shalt  }
0x66: {  	_ =	shalt  }
0x67: {  	_ =	shalt  }
0x68: {  	_ =	shalt  }
0x69: {  	_ =	shalt  }
0x6a: {  	_ =	shalt  }
0x6b: {  	_ =	shalt  }
0x6c: {  	_ =	shalt  }
0x6d: {  	_ =	shalt  }
0x6e: {  	_ =	shalt  }
0x6f: {  	_ =	shalt  }
0x70: {  	_ =	shalt  }
0x71: {  	_ =	shalt  }
0x72: {  	_ =	shalt  }
0x73: {  	_ =	shalt  }
0x74: {  	_ =	shalt  }
0x75: {  	_ =	shalt  }
0x76: {  	_ =	shalt  }
0x77: {  	_ =	shalt  }
0x78: {  	_ =	shalt  }
0x79: {  	_ =	shalt  }
0x7a: {  	_ =	shalt  }
0x7b: {  	_ =	shalt  }
0x7c: {  	_ =	shalt  }
0x7d: {  	_ =	shalt  }
0x7e: {  	_ =	shalt  }
0x7f: {  	_ =	shalt  }
0x80: {  	_ =	shalt  }
0x81: {  	_ =	shalt  }
0x82: {  	_ =	shalt  }
0x83: {  	_ =	shalt  }
0x84: {  	_ =	shalt  }
0x85: {  	_ =	shalt  }
0x86: {  	_ =	shalt  }
0x87: {  	_ =	shalt  }
.Lfunc_end0:
.L_simem_size_0:
called_computation.2_lowered:
.L_overlay_start_0:
0x88: {  	s2 =	sld [smem:$0x3FD9]  }
0x89: {  	s3 =	sld [smem:$0x3FFE];
	_ =	sdelay $0x1  }
0x8a: {  	s1 =	srdreg.scid  }
0x8b: {  	s0 =	sand.u32 $0x1, s1  }
0x8c: {  	s16 =	sshll.u32 s0, $0xA;
	s2 =	sadd.s32 s3, s2  }
0x8d: {  	s2 =	sadd.s32 s2, s16  }
0x8e: {  	[smem:$0x3FBD] =	sst s2  }
0x8f: {  	_ = 	snop  }
0x90: {  	(tm) =	ssettm $0x1  }
0x91: {  	s17 =	sld [smem:$0x3FFB];
	_ =	sdelay $0x3  }
0x92: {  	_ =	strace s17  }
0x93: {  	s2 =	sld [smem:$0x3FFC];
	_ =	sdelay $0x3  }
0x94: {  	_ =	strace s2  }
0x95: {  	s2 =	sld [smem:$0x3FFD];
	_ =	sdelay $0x3  }
0x96: {  	_ =	strace s2  }
0x97: {  	_ =	strace $0x8FFFFFFF  }
0x98: {  	s18 =	sld [smem:$0x3FDB];
	_ =	sdelay $0x1  }
0x99: {  	s19 =	simm.s32 $_scs_section_size  }
0x9a: {  	s4 =	simm.s32 $_size__tile_overlayer_lowered;
	s5 =	simm.s32 $_tile_overlayer_lowered  }
0x9b: {  	s22 =	simm.s32 $0x1BFF;
	s21 =	sshll.u32 s5, $0x1;
	s2 =	sadd.s32 s19, s18  }
0x9c: {  	s6 =	simm.s32 $0x0;
	s20 =	sshll.u32 s4, $0x1;
	s4 =	sadd.s32 s21, s2  }
0x9d: {  	[timem:s6], [sflag:s22] =	dma.local [hbm:s4], s20  }
0x9e: {  	_ =	swait.ge [sflag:s22], s20  }
0x9f: {  	s3 =	ssub.s32 $0x0, s20;
	[sflag:s22] =	ssyncset.done $0x0  }
0xa0: {  	[sflag:s22] =	ssyncadd.s32 s3;
	_ =	sdelay $0x1  }
0xa1: {  	s23 =	simm.s32 $0x1B8B  }
0xa2: {  	_ =	swait.ge [sflag:s23], $0x1  }
0xa3: {  	[sflag:s23] =	ssyncset.done $0x0  }
0xa4: {  	s25 =	simm.s32 $0x1B8E;
	s24 =	sld [smem:$0x3FFE];
	[sflag:s23] =	ssyncadd.s32 $0xFFFFFFFF  }
0xa5: {  	s26 =	simm.s32 $execute0_lowered;
	[smem:$0x3FD2] =	sst s25  }
0xa6: {  	s4 =	sshll.u32 s26, $0x1;
	_ =	strace $0x8000004C;
	[dreg:$0x1] =	wrdreg $0xFFFFFFFF  }
0xa7: {  	s28 =	simm.s32 $_size_execute0_lowered;
	s2 =	sadd.s32 s2, s4;
	[dreg:$0x0] =	wrdreg $0x0  }
0xa8: {  	s4 =	sshll.u32 s28, $0x1;
	[dreg:$0x2] =	wrdreg s2  }
0xa9: {  	[dreg:$0x3] =	wrdreg s4  }
0xaa: {  	[dreg:$0x4] =	wrdreg $0xC0  }
0xab: {  	_ =	task [dreg:s6], $0x5FFFF  }
0xac: {  	[dreg:$0x1] =	wrdreg $0xFFFFFFFF  }
0xad: {  	[dreg:$0x0] =	wrdreg $0x60  }
0xae: {  	[dreg:$0x2] =	wrdreg s24  }
0xaf: {  	[dreg:$0x3] =	wrdreg $0xA8000  }
0xb0: {  	[dreg:$0x4] =	wrdreg $0x9  }
0xb1: {  	_ =	task.clear_ibuf [dreg:s6], $0x5FFFF;
	_ =	strace $0x9000004C  }
0xb2: {  	s29 =	simm.s32 $0x9;
	_ =	strace $0x8000004E  }
0xb3: {  	_ =	swait.ge [sflag:s29], $0x1  }
0xb4: {  	[sflag:s29] =	ssyncadd.s32 $0xFFFFFFFF  }
0xb5: {  	_ =	strace $0x9000004E  }
0xb6: {  	_ =	sfence  }
0xb7: {  	s30 =	sld [smem:$0x0];
	_ =	sdelay $0x2  }
0xb8: {  	s31 =	sshll.u32 s1, $0xD;
	s1 =	sshrl.u32 s1, $0x2  }
0xb9: {  	s3 =	sand.u32 $0x4000, s31;
	s1 =	sadd.s32 s1, s30  }
0xba: {  	s0 =	sor.u32 s3, s0;
	s1 =	sshll.u32 s1, $0x11  }
0xbb: {  	s0 =	sor.u32 s1, s0  }
0xbc: {  	s0 =	sadd.s32 $0x8F2B, s0  }
0xbd: {  	[sflag:s0] =	ssyncadd.remote.s32 $0x1  }
0xbe: {  	_ =	sfence.sel $0xFFFF  }
0xbf: {  	[dreg:$0x0] =	wrdreg $0xFFFFFFFF;
	(pc) =	sbr.abs _section_cstart, $3  }
0xc0: {  	[dreg:$0x1] =	wrdreg $0xFFFFFFFF  }
0xc1: {  	_ =	task.clear_ibuf [dreg:s6], $0x2FFFF;
	_ =	strace $0x9FFFFFFF  }
0xc2: {  	(tm) =	ssettm $0x7FFFFFFF  }
0xc3: {  	_ =	shalt  }
tec
execute0_lowered:
.L_overlay_start_1:
0x0: {  	(tag) =	ssettag $0x1  }
0x1: {  	s7 =	rddreg [dreg:$0x0]  }
0x2: {  	s2 =	rddreg [dreg:$0x1];
	s3 =	srdreg.scid  }
0x3: {  	s0 =	rddreg [dreg:$0x2];
	s1 =	stileid.u32  }
0x4: {  	s16 =	simm.s32 $0x4000;
	s17 =	simm.s32 $0x50;
	s18 =	simm.s32 $0x8000  }
0x5: {  	s19 =	simm.s32 $0x0;
	s5 =	sand.u32 $0x1, s3;
	s8 =	smul.u32 $0x13800, s1  }
0x6: {  	s3 =	simm.s32 $0x0;
	s4 =	sshll.u32 s1, $0xC;
	s11 =	smul.u32 $0x4E000, s1  }
0x7: {  	s13 =	sadd.s32 $0xD6000, s7;
	s29 =	sshll.u32 s1, $0x6;
	s15 =	sadd.s32 $0x138000, s2  }
0x8: {  	p0 =	sne.s32 s1, $0xF;
	s6 =	sshll.u32 s5, $0xB;
	[smem:$0x7FF] =	sst s3  }
0x9: {  	s10 =	ssub.s32 $0x2, s5;
	s30 =	smul.u32 $0x138800, s5;
	s15 =	sshrl.u32 @!p0 s15, $0x3  }
0xa: {  	s4 =	sor.u32 s6, s4;
	_ =	strace $0x8000004D;
	s26 =	sshrl.u32 s8, $0x3  }
0xb: {  	s12 =	sshrl.u32 s10, $0x1;
	s28 =	sshrl.u32 s11, $0x2;
	s9 =	sadd.s32 s4, s7  }
0xc: {  	s4 =	sadd.s32 $0x51400, s7;
	s6 =	sadd.s32 s26, s7;
	s12 =	ssub.s32 s10, s12  }
0xd: {  	s14 =	sadd.s32 s28, s2;
	s7 =	sadd.s32 $0xD5E00, s7;
	s31 =	sadd.s32 s8, s30  }
0xe: {  	s11 =	sshrl.u32 s30, $0x3;
	s5 =	sadd.s32 $0xAEE00, s6;
	s6 =	sor.u32 $0x1C01, s29  }
0xf: {  	s8 =	sadd.s32 $0x9EE00, s9;
	s10 =	sshrl.u32 s31, $0x3;
	s11 =	sadd.s32 s13, s11  }
0x10: {  	s9 =	sadd.s32 $0x8EE00, s9;
	s12 =	smax.u32 s12, $0x1;
	s10 =	sadd.s32 s13, s10  }
0x11: {  	s11 =	sadd.s32 $0x27000, s11;
	s13 =	sshrl.u32 s14, $0x3;
	s14 =	simm.s32 $0x1  }
.LBB2_1:
0x12: {  	[spmem:s13], [sflag:s6] =	dma.local [hbm:s5], $0x2700  }
0x13: {  	_ =	swait.ge [sflag:s14], $0x2700  }
0x14: {  	[sflag:s14] =	ssyncset.done $0x0  }
0x15: {  	s20 =	simm.s32 @!p0 $0x1;
	[sflag:s14] =	ssyncadd.s32 $0xFFFFD900  }
0x16: {  	[spmem:s15], [sflag:s6] =	dma.local @!p0 [hbm:s7], $0x200  }
0x17: {  	_ =	swait.ge @!p0 [sflag:s20], $0x200  }
0x18: {  	[sflag:s20] =	ssyncset.done @!p0 $0x0  }
0x19: {  	[sflag:s20] =	ssyncadd.s32 @!p0 $0xFFFFFE00  }
0x1a: {  	[tilespmem:s3], [sflag:$0x1] =	stream.linear.gather [hbm4b:s8+s3], $0x3E80, $0x38;
	[tilespmem:$0x1E100] =	vst v63  }
0x1b: {  	_ =	swait.ge [sflag:s14], $0x3E80  }
0x1c: {  	[sflag:s14] =	ssyncset.done $0x0  }
0x1d: {  	[sflag:s14] =	ssyncadd.s32 $0xFFFFC180  }
0x1e: {  	[tilespmem:s16], [sflag:$0x1] =	stream.linear.gather [hbm4b:s9+s3], $0x3E80, $0x38;
	[tilespmem:$0x1E100] =	vst v63  }
0x1f: {  	_ =	swait.ge [sflag:s14], $0x3E80  }
0x20: {  	[sflag:s14] =	ssyncset.done $0x0  }
0x21: {  	[sflag:s14] =	ssyncadd.s32 $0xFFFFC180  }
0x22: {  	s30 =	simm.s32 $0x0;
	[bflag:$0x0] =	sbarrier.arrive $0xFFFF  }
0x23: {  	[tilespmem:s18], [sflag:$0x1] =	stream.indirect.gather [hbm4b:s4+s17], $0x80, s30, s17, $0xb8;
	[tilespmem:$0x1E100] =	vst v63  }
0x24: {  	_ =	swait.ge [sflag:s14], $0x2800  }
0x25: {  	[sflag:s14] =	ssyncset.done $0x0  }
0x26: {  	s31 =	simm.s32 $0x4000;
	[sflag:s14] =	ssyncadd.s32 $0xFFFFD800  }
0x27: {  	[spmem:s2] =	stream.indirect.scatter.add.f32 [tilespmem:s18], [sflag:$0x1], $0x80, s31, s17, $0xb8;
	[tilespmem:$0x1E100] =	vst v63  }
0x28: {  	_ =	swait.ge [sflag:s14], $0x2800  }
0x29: {  	s21 =	simm.s32 $0x400;
	s20 =	simm.s32 $0x200;
	[sflag:s14] =	ssyncset.done $0x0  }
.LBB2_2:
0x2a: {  	s22 =	sshra.s32 s20, $0x2  }
0x2b: {  	[sflag:s14] =	ssyncadd.s32 $0xFFFFD800;
	s20 =	smov.u32 s21;
	s23 =	sadd.s32 $0x200, s21  }
0x2c: {  	[tilespmem:s18], [sflag:$0x1] =	stream.indirect.gather [hbm4b:s4+s17], $0x80, s22, s17, $0xb8;
	[tilespmem:$0x1E100] =	vst v63  }
0x2d: {  	p1 =	sne.s32 s21, $0xF800;
	_ =	swait.ge [sflag:s14], $0x2800  }
.Ltmp0:
0x2e: {  	[sflag:s14] =	ssyncset.done $0x0;
	(pc) =	sbr.rel @p1 .LBB2_2-.Ltmp0, $4  }
0x2f: {  	s21 =	sadd.s32 $0x4000, s22;
	[sflag:s14] =	ssyncadd.s32 $0xFFFFD800  }
0x30: {  	[spmem:s2] =	stream.indirect.scatter.add.f32 [tilespmem:s18], [sflag:$0x1], $0x80, s21, s17, $0xb8;
	[tilespmem:$0x1E100] =	vst v63  }
0x31: {  	_ =	swait.ge [sflag:s14], $0x2800  }
0x32: {  	s21 =	smov.u32 s23;
	[sflag:s14] =	ssyncset.done $0x0  }
0x33: {  	s20 =	sshra.s32 s20, $0x2;
	[sflag:s14] =	ssyncadd.s32 $0xFFFFD800  }
0x34: {  	[tilespmem:s18], [sflag:$0x1] =	stream.indirect.gather [hbm4b:s4+s17], $0x80, s20, s17, $0xb8;
	[tilespmem:$0x1E100] =	vst v63  }
0x35: {  	_ =	swait.ge [sflag:s14], $0x2800  }
0x36: {  	[sflag:s14] =	ssyncset.done $0x0  }
0x37: {  	s20 =	sadd.s32 $0x4000, s20;
	[sflag:s14] =	ssyncadd.s32 $0xFFFFD800  }
0x38: {  	[spmem:s2] =	stream.indirect.scatter.add.f32 [tilespmem:s18], [sflag:$0x1], $0x80, s20, s17, $0xb8;
	[tilespmem:$0x1E100] =	vst v63  }
0x39: {  	_ =	swait.ge [sflag:s14], $0x2800  }
0x3a: {  	[sflag:s14] =	ssyncset.done $0x0  }
0x3b: {  	[sflag:s14] =	ssyncadd.s32 $0xFFFFD800  }
0x3c: {  	[bflag:$0x0] =	sbarrier.arrive $0xFFFF  }
0x3d: {  	[hbm:s10], [sflag:s6] =	dma.local [spmem:s13], $0x2700  }
0x3e: {  	s19 =	sadd.s32 $0x1, s19;
	_ =	swait.ge [sflag:s14], $0x2700  }
0x3f: {  	p1 =	sne.s32 s19, s12;
	[sflag:s14] =	ssyncset.done $0x0  }
.Ltmp1:
0x40: {  	s20 =	simm.s32 @!p0 $0x1;
	[sflag:s14] =	ssyncadd.s32 $0xFFFFD900;
	(pc) =	sbr.rel @p1 .LBB2_1-.Ltmp1, $4  }
0x41: {  	[hbm:s11], [sflag:s6] =	dma.local @!p0 [spmem:s15], $0x100  }
0x42: {  	_ =	swait.ge @!p0 [sflag:s20], $0x100  }
0x43: {  	[sflag:s20] =	ssyncset.done @!p0 $0x0  }
0x44: {  	[sflag:s20] =	ssyncadd.s32 @!p0 $0xFFFFFF00  }
0x45: {  	_ =	sfence.sel $0x180000  }
0x46: {  	[bflag:$0x0] =	sbarrier.arrive $0xFFFF  }
0x47: {  	p0 =	sne.s32 s1, $0x0;
	_ =	strace $0x9000004D  }
0x48: {  	s0 =	sadd.s32 @!p0 $0x100000, s0;
	[bflag:$0x2] =	sbarrier.arrive $0xFFFF  }
0x49: {  	[sflag:s0] =	ssyncadd.tile.s32 @!p0 $0x1;
	_ =	shalt  }
.Lfunc_end2:
_tile_overlayer_lowered:
.L_overlay_start_2:
0x4a: {  	(tag) =	ssettag $0x2  }
0x4b: {  	s0 =	rddreg [dreg:$0x0];
	s2 =	stileid.u32  }
0x4c: {  	s1 =	rddreg [dreg:$0x1];
	p0 =	sne.s32 s2, $0x0  }
0x4d: {  	s3 =	rddreg [dreg:$0x2];
	[bflag:$0x3] =	sbarrier.arrive $0xFFFF;
	s2 =	simm.s32 @!p0 $0x1C01  }
0x4e: {  	[timem:s3], [sflag:s2] =	dma.local @!p0 [hbm:s0], s1  }
0x4f: {  	s0 =	simm.s32 @!p0 $0x1  }
0x50: {  	_ =	swait.ge @!p0 [sflag:s0], s1  }
0x51: {  	s1 =	ssub.s32 @!p0 $0x0, s1;
	[sflag:s0] =	ssyncset.done @!p0 $0x0  }
0x52: {  	[sflag:s0] =	ssyncadd.s32 @!p0 s1  }
0x53: {  	[bflag:$0x3] =	sbarrier.arrive $0xFFFF  }
0x54: {  	_ =	shalt  }

// kernel: kernel.7.cloned.1.call-start
scs
__scs_entry_jumppad:
0x0: {  	(pc) =	sbr.rel $0x88, $3  }
0x1: {  	(tag) =	ssettag $0x0;
	lr =	simm.s32 $0x1  }
0x2: {  	[smem:$0x3F96] =	sst lr;
	_ =	strace $0xD0000000  }
0x3: {  	_ = 	snop  }
0x4: {  	_ = 	snop  }
0x5: {  	_ = 	snop  }
0x6: {  	_ = 	snop  }
0x7: {  	_ = 	snop  }
__scs_overlays_trampoline_lowered:
0x8: {  	[smem:$0x3FA5] =	sst s0  }
0x9: {  	[smem:$0x3FA6] =	sst s1  }
0xa: {  	[smem:$0x3FA7] =	sst s2  }
0xb: {  	[smem:$0x3FA8] =	sst s3  }
0xc: {  	[smem:$0x3FA9] =	sst s4  }
0xd: {  	[smem:$0x3FAA] =	sst s5  }
0xe: {  	[smem:$0x3FAB] =	sst s6  }
0xf: {  	[smem:$0x3FAC] =	sst s7  }
0x10: {  	[smem:$0x3FAD] =	sst s8  }
0x11: {  	[smem:$0x3FAE] =	sst s9;
	s0 =	simm.s32 @!p0 $0x0  }
0x12: {  	s1 =	sld [smem:$0x3F94];
	s0 =	simm.s32 @p0 $0x1  }
0x13: {  	[smem:$0x3FAF] =	sst s0;
	s0 =	simm.s32 @!p1 $0x0  }
0x14: {  	s2 =	sld [smem:$0x3F93];
	s0 =	simm.s32 @p1 $0x1  }
0x15: {  	[smem:$0x3FB0] =	sst s0;
	s0 =	simm.s32 @!p2 $0x0  }
0x16: {  	s3 =	sld [smem:$0x3FDB];
	s0 =	simm.s32 @p2 $0x1  }
0x17: {  	s4 =	simm.s32 $0x1BF5;
	[smem:$0x3FB2] =	sst s0  }
0x18: {  	s0 =	sld [smem:$0x3F95];
	_ =	swait.ge [sflag:s4], $0x0  }
0x19: {  	s7 =	sld [smem:$0x3F96]  }
0x1a: {  	s8 =	sadd.s32 $0xFFFFE003, lr  }
0x1b: {  	s9 =	sadd.s32 $0xFFFFFEF7, lr;
	s5 =	simm.s32 $0xFFFFFFFF;
	p2 =	slt.u32 s8, $0xFFFFF086  }
0x1c: {  	p1 =	slt.u32 s9, $0xF7A;
	s5 =	simm.s32 @!p2 $0x0  }
0x1d: {  	s5 =	simm.s32 @p1 $0x1;
	p0 =	seq.s32 s7, s2  }
0x1e: {  	s7 =	smul.u32 @!p0 $0xF7A, s2;
	p2 =	seq.s32 @!p0 s5, $0x0  }
0x1f: {  	s9 =	smul.u32 $0xF7A, s1;
	s8 =	simm.s32 @!p0 $0x1BF5;
	p2 =	por !p2, p0  }
0x20: {  	[sflag:s8] =	ssyncset.s32 @!p0 $0xFFFFF086;
	s6 =	sadd.s32 @!p0 s3, s7;
	s7 =	simm.s32 @!p0 $0x108  }
0x21: {  	s3 =	sadd.s32 s3, s9;
	s6 =	sadd.s32 @!p0 $0x88, s6;
	s7 =	simm.s32 @p2 $0x1082  }
0x22: {  	[simem:s7], [sflag:s8] =	dma.local @!p0 [hbm:s6], $0xF7A  }
0x23: {  	s9 =	sor.u32 $0xD0000000, s2;
	s6 =	simm.s32 $0x108;
	_ =	swait.ge @!p0 [sflag:s8], $0x0  }
0x24: {  	s3 =	sadd.s32 $0x88, s3;
	s6 =	simm.s32 @!p1 $0x1082;
	[sflag:s4] =	ssyncset.s32 $0xFFFFF086  }
0x25: {  	[simem:s6], [sflag:s4] =	dma.local [hbm:s3], $0xF7A  }
0x26: {  	[smem:$0x3F96] =	sst s1;
	(tag) =	ssettag s2;
	_ =	strace s9  }
0x27: {  	s1 =	sld [smem:$0x3FA6]  }
0x28: {  	s2 =	sld [smem:$0x3FA7]  }
0x29: {  	s4 =	sld [smem:$0x3FA9]  }
0x2a: {  	p0 =	seq.s32 s5, $0x0;
	s5 =	sld [smem:$0x3FAA]  }
0x2b: {  	s6 =	sld [smem:$0x3FAB]  }
0x2c: {  	s7 =	sld [smem:$0x3FAC]  }
0x2d: {  	s3 =	simm.s32 $0x108;
	s8 =	sld [smem:$0x3FAD]  }
0x2e: {  	s3 =	simm.s32 @!p0 $0x1082;
	s9 =	sld [smem:$0x3FAE]  }
0x2f: {  	lr =	sadd.s32 s0, s3;
	s0 =	sld [smem:$0x3FA5]  }
0x30: {  	s3 =	sld [smem:$0x3FA8]  }
0x31: {  	[smem:$0x3FB1] =	sst s10  }
0x32: {  	s10 =	sld [smem:$0x3FAF];
	_ =	sdelay $0x3  }
0x33: {  	p0 =	seq.s32 s10, $0x1;
	s10 =	sld [smem:$0x3FB1];
	_ =	sdelay $0x3  }
0x34: {  	[smem:$0x3FB1] =	sst s10  }
0x35: {  	s10 =	sld [smem:$0x3FB0];
	_ =	sdelay $0x3  }
0x36: {  	p1 =	seq.s32 s10, $0x1;
	s10 =	sld [smem:$0x3FB1];
	_ =	sdelay $0x3  }
0x37: {  	[smem:$0x3FB1] =	sst s10  }
0x38: {  	s10 =	sld [smem:$0x3FB2]  }
0x39: {  	_ = 	snop;
	(pc) =	sbr.ind lr, $3  }
0x3a: {  	_ = 	snop  }
0x3b: {  	_ = 	snop  }
0x3c: {  	p2 =	seq.s32 s10, $0x1;
	s10 =	sld [smem:$0x3FB1]  }
0x3d: {  	_ =	shalt  }
0x3e: {  	_ =	shalt  }
0x3f: {  	_ =	shalt  }
0x40: {  	_ =	shalt  }
0x41: {  	_ =	shalt  }
0x42: {  	_ =	shalt  }
0x43: {  	_ =	shalt  }
0x44: {  	_ =	shalt  }
0x45: {  	_ =	shalt  }
0x46: {  	_ =	shalt  }
0x47: {  	_ =	shalt  }
0x48: {  	_ =	shalt  }
0x49: {  	_ =	shalt  }
0x4a: {  	_ =	shalt  }
0x4b: {  	_ =	shalt  }
0x4c: {  	_ =	shalt  }
0x4d: {  	_ =	shalt  }
0x4e: {  	_ =	shalt  }
0x4f: {  	_ =	shalt  }
0x50: {  	_ =	shalt  }
0x51: {  	_ =	shalt  }
0x52: {  	_ =	shalt  }
0x53: {  	_ =	shalt  }
0x54: {  	_ =	shalt  }
0x55: {  	_ =	shalt  }
0x56: {  	_ =	shalt  }
0x57: {  	_ =	shalt  }
0x58: {  	_ =	shalt  }
0x59: {  	_ =	shalt  }
0x5a: {  	_ =	shalt  }
0x5b: {  	_ =	shalt  }
0x5c: {  	_ =	shalt  }
0x5d: {  	_ =	shalt  }
0x5e: {  	_ =	shalt  }
0x5f: {  	_ =	shalt  }
0x60: {  	_ =	shalt  }
0x61: {  	_ =	shalt  }
0x62: {  	_ =	shalt  }
0x63: {  	_ =	shalt  }
0x64: {  	_ =	shalt  }
0x65: {  	_ =	shalt  }
0x66: {  	_ =	shalt  }
0x67: {  	_ =	shalt  }
0x68: {  	_ =	shalt  }
0x69: {  	_ =	shalt  }
0x6a: {  	_ =	shalt  }
0x6b: {  	_ =	shalt  }
0x6c: {  	_ =	shalt  }
0x6d: {  	_ =	shalt  }
0x6e: {  	_ =	shalt  }
0x6f: {  	_ =	shalt  }
0x70: {  	_ =	shalt  }
0x71: {  	_ =	shalt  }
0x72: {  	_ =	shalt  }
0x73: {  	_ =	shalt  }
0x74: {  	_ =	shalt  }
0x75: {  	_ =	shalt  }
0x76: {  	_ =	shalt  }
0x77: {  	_ =	shalt  }
0x78: {  	_ =	shalt  }
0x79: {  	_ =	shalt  }
0x7a: {  	_ =	shalt  }
0x7b: {  	_ =	shalt  }
0x7c: {  	_ =	shalt  }
0x7d: {  	_ =	shalt  }
0x7e: {  	_ =	shalt  }
0x7f: {  	_ =	shalt  }
0x80: {  	_ =	shalt  }
0x81: {  	_ =	shalt  }
0x82: {  	_ =	shalt  }
0x83: {  	_ =	shalt  }
0x84: {  	_ =	shalt  }
0x85: {  	_ =	shalt  }
0x86: {  	_ =	shalt  }
0x87: {  	_ =	shalt  }
.Lfunc_end0:
.L_simem_size_0:
called_computation_lowered:
.L_overlay_start_0:
0x88: {  	s2 =	sld [smem:$0x3FD9]  }
0x89: {  	s3 =	sld [smem:$0x3FFE];
	_ =	sdelay $0x1  }
0x8a: {  	s1 =	srdreg.scid  }
0x8b: {  	s0 =	sand.u32 $0x1, s1  }
0x8c: {  	s16 =	sshll.u32 s0, $0xA;
	s2 =	sadd.s32 s3, s2  }
0x8d: {  	s2 =	sadd.s32 s2, s16  }
0x8e: {  	[smem:$0x3FBD] =	sst s2  }
0x8f: {  	_ = 	snop  }
0x90: {  	(tm) =	ssettm $0x1  }
0x91: {  	s17 =	sld [smem:$0x3FFB];
	_ =	sdelay $0x3  }
0x92: {  	_ =	strace s17  }
0x93: {  	s2 =	sld [smem:$0x3FFC];
	_ =	sdelay $0x3  }
0x94: {  	_ =	strace s2  }
0x95: {  	s2 =	sld [smem:$0x3FFD];
	_ =	sdelay $0x3  }
0x96: {  	_ =	strace s2  }
0x97: {  	_ =	strace $0x8FFFFFFF  }
0x98: {  	s18 =	sld [smem:$0x3FDB];
	_ =	sdelay $0x1  }
0x99: {  	s19 =	simm.s32 $_scs_section_size  }
0x9a: {  	s4 =	simm.s32 $_size__tile_overlayer_lowered;
	s5 =	simm.s32 $_tile_overlayer_lowered  }
0x9b: {  	s22 =	simm.s32 $0x1BFF;
	s21 =	sshll.u32 s5, $0x1;
	s2 =	sadd.s32 s19, s18  }
0x9c: {  	s6 =	simm.s32 $0x0;
	s20 =	sshll.u32 s4, $0x1;
	s4 =	sadd.s32 s21, s2  }
0x9d: {  	[timem:s6], [sflag:s22] =	dma.local [hbm:s4], s20  }
0x9e: {  	_ =	swait.ge [sflag:s22], s20  }
0x9f: {  	s3 =	ssub.s32 $0x0, s20;
	[sflag:s22] =	ssyncset.done $0x0  }
0xa0: {  	[sflag:s22] =	ssyncadd.s32 s3;
	_ =	sdelay $0x1  }
0xa1: {  	s23 =	simm.s32 $0x1B8B  }
0xa2: {  	_ =	swait.ge [sflag:s23], $0x1  }
0xa3: {  	[sflag:s23] =	ssyncset.done $0x0  }
0xa4: {  	s25 =	simm.s32 $0x1B8E;
	s24 =	sld [smem:$0x3FFE];
	[sflag:s23] =	ssyncadd.s32 $0xFFFFFFFF  }
0xa5: {  	s26 =	simm.s32 $execute0_lowered;
	[smem:$0x3FD2] =	sst s25  }
0xa6: {  	s4 =	sshll.u32 s26, $0x1;
	_ =	strace $0x80000046;
	[dreg:$0x1] =	wrdreg $0xFFFFFFFF  }
0xa7: {  	s28 =	simm.s32 $_size_execute0_lowered;
	s2 =	sadd.s32 s2, s4;
	[dreg:$0x0] =	wrdreg $0x0  }
0xa8: {  	s4 =	sshll.u32 s28, $0x1;
	[dreg:$0x2] =	wrdreg s2  }
0xa9: {  	[dreg:$0x3] =	wrdreg s4  }
0xaa: {  	[dreg:$0x4] =	wrdreg $0xC0  }
0xab: {  	_ =	task [dreg:s6], $0x5FFFF  }
0xac: {  	[dreg:$0x1] =	wrdreg $0xFFFFFFFF  }
0xad: {  	[dreg:$0x0] =	wrdreg $0x60  }
0xae: {  	[dreg:$0x2] =	wrdreg s24  }
0xaf: {  	[dreg:$0x3] =	wrdreg $0x9F000  }
0xb0: {  	[dreg:$0x4] =	wrdreg $0x9  }
0xb1: {  	_ =	task.clear_ibuf [dreg:s6], $0x5FFFF;
	_ =	strace $0x90000046  }
0xb2: {  	s29 =	simm.s32 $0x9;
	_ =	strace $0x80000048  }
0xb3: {  	_ =	swait.ge [sflag:s29], $0x1  }
0xb4: {  	[sflag:s29] =	ssyncadd.s32 $0xFFFFFFFF  }
0xb5: {  	_ =	strace $0x90000048  }
0xb6: {  	_ =	sfence  }
0xb7: {  	s30 =	sld [smem:$0x0];
	_ =	sdelay $0x2  }
0xb8: {  	s31 =	sshll.u32 s1, $0xD;
	s1 =	sshrl.u32 s1, $0x2  }
0xb9: {  	s3 =	sand.u32 $0x4000, s31;
	s1 =	sadd.s32 s1, s30  }
0xba: {  	s0 =	sor.u32 s3, s0;
	s1 =	sshll.u32 s1, $0x11  }
0xbb: {  	s0 =	sor.u32 s1, s0  }
0xbc: {  	s0 =	sadd.s32 $0x8F2B, s0  }
0xbd: {  	[sflag:s0] =	ssyncadd.remote.s32 $0x1  }
0xbe: {  	_ =	sfence.sel $0xFFFF  }
0xbf: {  	[dreg:$0x0] =	wrdreg $0xFFFFFFFF;
	(pc) =	sbr.abs _section_cstart, $3  }
0xc0: {  	[dreg:$0x1] =	wrdreg $0xFFFFFFFF  }
0xc1: {  	_ =	task.clear_ibuf [dreg:s6], $0x2FFFF;
	_ =	strace $0x9FFFFFFF  }
0xc2: {  	(tm) =	ssettm $0x7FFFFFFF  }
0xc3: {  	_ =	shalt  }
tec
execute0_lowered:
.L_overlay_start_1:
0x0: {  	(tag) =	ssettag $0x1  }
0x1: {  	s4 =	rddreg [dreg:$0x0]  }
0x2: {  	s2 =	rddreg [dreg:$0x1]  }
0x3: {  	s1 =	stileid.u32;
	s0 =	rddreg [dreg:$0x2];
	s3 =	simm.s32 $0x0  }
0x4: {  	s7 =	srdreg.scid;
	s14 =	simm.s32 $0x9E00;
	s5 =	smul.u32 $0x9E0, s1  }
0x5: {  	s15 =	simm.s32 $0x9E80;
	s18 =	simm.s32 $0x0;
	s6 =	smul.u32 $0x14000, s1  }
0x6: {  	[smem:$0x7FF] =	sst s3;
	s7 =	sand.u32 $0x1, s7;
	s8 =	smul.u32 $0x28000, s1  }
0x7: {  	s31 =	sshll.u32 s1, $0x6;
	_ =	strace $0x80000047;
	s29 =	sshll.u32 s7, $0x7  }
0x8: {  	s30 =	ssub.s32 $0x2, s7;
	s16 =	smul.u32 $0x1388, s7;
	s9 =	sadd.s32 s5, s4  }
0x9: {  	s10 =	sshrl.u32 s6, $0x3;
	s5 =	sor.u32 s29, s8;
	s11 =	sshrl.u32 s30, $0x1  }
0xa: {  	s13 =	sadd.s32 s6, s2;
	s10 =	sadd.s32 s10, s4;
	s5 =	sshrl.u32 s5, $0x3  }
0xb: {  	s11 =	ssub.s32 s30, s11;
	s6 =	sadd.s32 $0x3200, s9;
	s7 =	sadd.s32 $0xD000, s9  }
0xc: {  	s17 =	sadd.s32 $0x1388, s16;
	v0 =	vmov s16;
	s16 =	simm.s32 $0x20;
	s12 =	sadd.s32 s5, s4  }
0xd: {  	s4 =	sadd.s32 $0x16E00, s10;
	s5 =	sor.u32 $0x1C01, s31;
	s9 =	smax.u32 s11, $0x1  }
0xe: {  	s10 =	sshrl.u32 s13, $0x3;
	s11 =	simm.s32 $0x1;
	s13 =	simm.s32 $0x80  }
0xf: {  	v2 =	vimm.f32 $1.000000000e+00;
	v1 =	vmov s17;
	s17 =	simm.s32 $0x10;
	s8 =	sadd.s32 $0x3EE00, s12;
	s12 =	simm.s32 $0x4F00  }
.LBB2_1:
0x10: {  	[spmem:s10], [sflag:s5] =	dma.local [hbm:s4], $0x2800  }
0x11: {  	_ =	swait.ge [sflag:s11], $0x2800  }
0x12: {  	[sflag:s11] =	ssyncset.done $0x0  }
0x13: {  	[sflag:s11] =	ssyncadd.s32 $0xFFFFD800  }
0x14: {  	[tilespmem:s3], [sflag:$0x1] =	stream.linear.gather [hbm4b:s6+s3], $0x4F00, $0x38;
	[tilespmem:$0x1DF00] =	vst v63  }
0x15: {  	_ =	swait.ge [sflag:s11], $0x4F00  }
0x16: {  	[sflag:s11] =	ssyncset.done $0x0  }
0x17: {  	[sflag:s11] =	ssyncadd.s32 $0xFFFFB100  }
0x18: {  	[tilespmem:s12], [sflag:$0x1] =	stream.linear.gather [hbm4b:s7+s3], $0x4F00, $0x38;
	[tilespmem:$0x1DF00] =	vst v63  }
0x19: {  	_ =	swait.ge [sflag:s11], $0x4F00  }
0x1a: {  	[sflag:s11] =	ssyncset.done $0x0  }
0x1b: {  	[sflag:s11] =	ssyncadd.s32 $0xFFFFB100  }
0x1c: {  	[tilespmem:$0x9E80] =	vst v2  }
0x1d: {  	[tilespmem:$0x9E90] =	vst v2  }
0x1e: {  	[tilespmem:$0x9EA0] =	vst v2  }
0x1f: {  	[tilespmem:$0x9EB0] =	vst v2  }
0x20: {  	[tilespmem:$0x9EC0] =	vst v2  }
0x21: {  	[tilespmem:$0x9ED0] =	vst v2  }
0x22: {  	[tilespmem:$0x9EE0] =	vst v2  }
0x23: {  	[tilespmem:$0x9EF0] =	vst v2  }
0x24: {  	s19 =	simm.s32 $0x0;
	[bflag:$0x0] =	sbarrier.arrive $0xFFFF  }
0x25: {  	v3 =	vld [tilespmem:s19+$0x0];
	_ =	sdelay $0x1  }
0x26: {  	v4 =	vld [tilespmem:s19+$0x4F00];
	_ =	sdelay $0x2  }
0x27: {  	v5 =	vsub.s32 v3, v0  }
0x28: {  	vm0 =	vge.s32 v3, v0;
	vm1 =	vlt.s32 v3, v1;
	v3 =	vshll.u32 v5, $0x8  }
0x29: {  	vm0 =	vmand vm0, vm1;
	v3 =	vadd.s32 v4, v3  }
0x2a: {  	v3 =	vnsel vm0, $0x138800, v3  }
0x2b: {  	[tilespmem:$0x9E00] =	vst v3  }
0x2c: {  	v3 =	vld [tilespmem:s19+$0x10];
	_ =	sdelay $0x1  }
0x2d: {  	v50 =	vld [tilespmem:s19+$0x4F10];
	_ =	sdelay $0x2  }
0x2e: {  	v51 =	vsub.s32 v3, v0  }
0x2f: {  	vm14 =	vge.s32 v3, v0;
	vm15 =	vlt.s32 v3, v1;
	v3 =	vshll.u32 v51, $0x8  }
0x30: {  	vm0 =	vmand vm14, vm15;
	v3 =	vadd.s32 v50, v3  }
0x31: {  	v3 =	vnsel vm0, $0x138800, v3  }
0x32: {  	[tilespmem:$0x9E10] =	vst v3  }
0x33: {  	v3 =	vld [tilespmem:s19+$0x20];
	_ =	sdelay $0x1  }
0x34: {  	v52 =	vld [tilespmem:s19+$0x4F20];
	_ =	sdelay $0x2  }
0x35: {  	v53 =	vsub.s32 v3, v0  }
0x36: {  	vm4 =	vge.s32 v3, v0;
	vm5 =	vlt.s32 v3, v1;
	v3 =	vshll.u32 v53, $0x8  }
0x37: {  	vm0 =	vmand vm4, vm5;
	v3 =	vadd.s32 v52, v3  }
0x38: {  	v3 =	vnsel vm0, $0x138800, v3  }
0x39: {  	[tilespmem:$0x9E20] =	vst v3  }
0x3a: {  	v3 =	vld [tilespmem:s19+$0x30];
	_ =	sdelay $0x1  }
0x3b: {  	v54 =	vld [tilespmem:s19+$0x4F30];
	_ =	sdelay $0x2  }
0x3c: {  	v55 =	vsub.s32 v3, v0  }
0x3d: {  	vm6 =	vge.s32 v3, v0;
	vm7 =	vlt.s32 v3, v1;
	v3 =	vshll.u32 v55, $0x8  }
0x3e: {  	vm0 =	vmand vm6, vm7;
	v3 =	vadd.s32 v54, v3  }
0x3f: {  	v3 =	vnsel vm0, $0x138800, v3  }
0x40: {  	[tilespmem:$0x9E30] =	vst v3  }
0x41: {  	v3 =	vld [tilespmem:s19+$0x40];
	_ =	sdelay $0x1  }
0x42: {  	v56 =	vld [tilespmem:s19+$0x4F40];
	_ =	sdelay $0x2  }
0x43: {  	v57 =	vsub.s32 v3, v0  }
0x44: {  	vm8 =	vge.s32 v3, v0;
	vm9 =	vlt.s32 v3, v1;
	v3 =	vshll.u32 v57, $0x8  }
0x45: {  	vm0 =	vmand vm8, vm9;
	v3 =	vadd.s32 v56, v3  }
0x46: {  	v3 =	vnsel vm0, $0x138800, v3  }
0x47: {  	[tilespmem:$0x9E40] =	vst v3  }
0x48: {  	v3 =	vld [tilespmem:s19+$0x50];
	_ =	sdelay $0x1  }
0x49: {  	v58 =	vld [tilespmem:s19+$0x4F50];
	_ =	sdelay $0x2  }
0x4a: {  	v59 =	vsub.s32 v3, v0  }
0x4b: {  	vm10 =	vge.s32 v3, v0;
	vm11 =	vlt.s32 v3, v1;
	v3 =	vshll.u32 v59, $0x8  }
0x4c: {  	vm0 =	vmand vm10, vm11;
	v3 =	vadd.s32 v58, v3  }
0x4d: {  	v3 =	vnsel vm0, $0x138800, v3  }
0x4e: {  	[tilespmem:$0x9E50] =	vst v3  }
0x4f: {  	v3 =	vld [tilespmem:s19+$0x60];
	_ =	sdelay $0x1  }
0x50: {  	v60 =	vld [tilespmem:s19+$0x4F60];
	_ =	sdelay $0x2  }
0x51: {  	v61 =	vsub.s32 v3, v0  }
0x52: {  	vm12 =	vge.s32 v3, v0;
	vm13 =	vlt.s32 v3, v1;
	v3 =	vshll.u32 v61, $0x8  }
0x53: {  	vm0 =	vmand vm12, vm13;
	v3 =	vadd.s32 v60, v3  }
0x54: {  	v3 =	vnsel vm0, $0x138800, v3  }
0x55: {  	[tilespmem:$0x9E60] =	vst v3  }
0x56: {  	v3 =	vld [tilespmem:s19+$0x70];
	_ =	sdelay $0x1  }
0x57: {  	v62 =	vld [tilespmem:s19+$0x4F70];
	_ =	sdelay $0x2  }
0x58: {  	v63 =	vsub.s32 v3, v0  }
0x59: {  	vm14 =	vge.s32 v3, v0;
	vm15 =	vlt.s32 v3, v1;
	v3 =	vshll.u32 v63, $0x8  }
0x5a: {  	vm0 =	vmand vm14, vm15;
	v3 =	vadd.s32 v62, v3  }
0x5b: {  	v3 =	vnsel vm0, $0x138800, v3  }
0x5c: {  	[tilespmem:$0x9E70] =	vst v3  }
0x5d: {  	[spmem:s2] =	stream.indirect.scatter.add.f32 [tilespmem:s15], [sflag:$0x1], $0x1, s14, s13, $0xb8;
	[tilespmem:$0x1DF00] =	vst v63  }
0x5e: {  	_ =	swait.ge [sflag:s11], $0x80  }
0x5f: {  	s22 =	simm.s32 $0x400;
	s19 =	simm.s32 $0x200;
	[sflag:s11] =	ssyncset.done $0x0  }
.LBB2_2:
0x60: {  	s21 =	sshra.s32 s19, $0x2  }
0x61: {  	[sflag:s11] =	ssyncadd.s32 $0xFFFFFF80;
	s19 =	smov.u32 s22;
	s20 =	sadd.s32 $0x200, s22  }
0x62: {  	p0 =	sne.s32 s22, $0x13A00;
	v3 =	vld [tilespmem:s21+$0x0];
	_ =	sdelay $0x1  }
0x63: {  	v4 =	vld [tilespmem:s21+$0x4F00];
	_ =	sdelay $0x2  }
0x64: {  	vm0 =	vge.s32 v3, v0;
	vm1 =	vlt.s32 v3, v1;
	v3 =	vsub.s32 v3, v0  }
0x65: {  	vm0 =	vmand vm0, vm1;
	v3 =	vshll.u32 v3, $0x8  }
0x66: {  	v3 =	vadd.s32 v4, v3  }
0x67: {  	v3 =	vnsel vm0, $0x138800, v3  }
0x68: {  	[tilespmem:$0x9E00] =	vst v3  }
0x69: {  	v3 =	vld [tilespmem:s21+$0x10];
	_ =	sdelay $0x1  }
0x6a: {  	v4 =	vld [tilespmem:s21+$0x4F10];
	_ =	sdelay $0x2  }
0x6b: {  	vm0 =	vge.s32 v3, v0;
	vm1 =	vlt.s32 v3, v1;
	v3 =	vsub.s32 v3, v0  }
0x6c: {  	vm0 =	vmand vm0, vm1;
	v3 =	vshll.u32 v3, $0x8  }
0x6d: {  	v3 =	vadd.s32 v4, v3  }
0x6e: {  	v3 =	vnsel vm0, $0x138800, v3  }
0x6f: {  	[tilespmem:$0x9E10] =	vst v3  }
0x70: {  	v3 =	vld [tilespmem:s21+$0x20];
	_ =	sdelay $0x1  }
0x71: {  	v4 =	vld [tilespmem:s21+$0x4F20];
	_ =	sdelay $0x2  }
0x72: {  	vm0 =	vge.s32 v3, v0;
	vm1 =	vlt.s32 v3, v1;
	v3 =	vsub.s32 v3, v0  }
0x73: {  	vm0 =	vmand vm0, vm1;
	v3 =	vshll.u32 v3, $0x8  }
0x74: {  	v3 =	vadd.s32 v4, v3  }
0x75: {  	v3 =	vnsel vm0, $0x138800, v3  }
0x76: {  	[tilespmem:$0x9E20] =	vst v3  }
0x77: {  	v3 =	vld [tilespmem:s21+$0x30];
	_ =	sdelay $0x1  }
0x78: {  	v4 =	vld [tilespmem:s21+$0x4F30];
	_ =	sdelay $0x2  }
0x79: {  	vm0 =	vge.s32 v3, v0;
	vm1 =	vlt.s32 v3, v1;
	v3 =	vsub.s32 v3, v0  }
0x7a: {  	vm0 =	vmand vm0, vm1;
	v3 =	vshll.u32 v3, $0x8  }
0x7b: {  	v3 =	vadd.s32 v4, v3  }
0x7c: {  	v3 =	vnsel vm0, $0x138800, v3  }
0x7d: {  	[tilespmem:$0x9E30] =	vst v3  }
0x7e: {  	v3 =	vld [tilespmem:s21+$0x40];
	_ =	sdelay $0x1  }
0x7f: {  	v4 =	vld [tilespmem:s21+$0x4F40];
	_ =	sdelay $0x2  }
0x80: {  	vm0 =	vge.s32 v3, v0;
	vm1 =	vlt.s32 v3, v1;
	v3 =	vsub.s32 v3, v0  }
0x81: {  	vm0 =	vmand vm0, vm1;
	v3 =	vshll.u32 v3, $0x8  }
0x82: {  	v3 =	vadd.s32 v4, v3  }
0x83: {  	v3 =	vnsel vm0, $0x138800, v3  }
0x84: {  	[tilespmem:$0x9E40] =	vst v3  }
0x85: {  	v3 =	vld [tilespmem:s21+$0x50];
	_ =	sdelay $0x1  }
0x86: {  	v4 =	vld [tilespmem:s21+$0x4F50];
	_ =	sdelay $0x2  }
0x87: {  	vm0 =	vge.s32 v3, v0;
	vm1 =	vlt.s32 v3, v1;
	v3 =	vsub.s32 v3, v0  }
0x88: {  	vm0 =	vmand vm0, vm1;
	v3 =	vshll.u32 v3, $0x8  }
0x89: {  	v3 =	vadd.s32 v4, v3  }
0x8a: {  	v3 =	vnsel vm0, $0x138800, v3  }
0x8b: {  	[tilespmem:$0x9E50] =	vst v3  }
0x8c: {  	v3 =	vld [tilespmem:s21+$0x60]  }
0x8d: {  	v4 =	vld [tilespmem:s21+$0x4F60];
	_ =	sdelay $0x3  }
0x8e: {  	vm0 =	vge.s32 v3, v0;
	vm1 =	vlt.s32 v3, v1;
	v3 =	vsub.s32 v3, v0  }
0x8f: {  	vm0 =	vmand vm0, vm1;
	v3 =	vshll.u32 v3, $0x8  }
0x90: {  	v3 =	vadd.s32 v4, v3  }
0x91: {  	v3 =	vnsel vm0, $0x138800, v3  }
0x92: {  	[tilespmem:$0x9E60] =	vst v3  }
0x93: {  	v3 =	vld [tilespmem:s21+$0x70]  }
0x94: {  	v4 =	vld [tilespmem:s21+$0x4F70];
	_ =	sdelay $0x3  }
0x95: {  	vm0 =	vge.s32 v3, v0;
	vm1 =	vlt.s32 v3, v1;
	v3 =	vsub.s32 v3, v0  }
0x96: {  	vm0 =	vmand vm0, vm1;
	v3 =	vshll.u32 v3, $0x8  }
0x97: {  	v3 =	vadd.s32 v4, v3  }
.Ltmp0:
0x98: {  	v3 =	vnsel vm0, $0x138800, v3;
	(pc) =	sbr.rel @p0 .LBB2_2-.Ltmp0, $4  }
0x99: {  	[tilespmem:$0x9E70] =	vst v3  }
0x9a: {  	[spmem:s2] =	stream.indirect.scatter.add.f32 [tilespmem:s15], [sflag:$0x1], $0x1, s14, s13, $0xb8;
	[tilespmem:$0x1DF00] =	vst v63  }
0x9b: {  	_ =	swait.ge [sflag:s11], $0x80  }
0x9c: {  	s22 =	smov.u32 s20;
	[sflag:s11] =	ssyncset.done $0x0  }
0x9d: {  	s19 =	sshra.s32 s19, $0x2;
	[sflag:s11] =	ssyncadd.s32 $0xFFFFFF80  }
0x9e: {  	v3 =	vld [tilespmem:s19+$0x0];
	_ =	sdelay $0x1  }
0x9f: {  	v4 =	vld [tilespmem:s19+$0x4F00];
	_ =	sdelay $0x2  }
0xa0: {  	v5 =	vsub.s32 v3, v0  }
0xa1: {  	vm0 =	vge.s32 v3, v0;
	vm1 =	vlt.s32 v3, v1;
	v3 =	vshll.u32 v5, $0x8  }
0xa2: {  	vm0 =	vmand vm0, vm1;
	v3 =	vadd.s32 v4, v3  }
0xa3: {  	v3 =	vnsel vm0, $0x138800, v3  }
0xa4: {  	[tilespmem:$0x9E00] =	vst v3  }
0xa5: {  	v3 =	vld [tilespmem:s19+$0x10];
	_ =	sdelay $0x1  }
0xa6: {  	v50 =	vld [tilespmem:s19+$0x4F10];
	_ =	sdelay $0x2  }
0xa7: {  	v51 =	vsub.s32 v3, v0  }
0xa8: {  	vm14 =	vge.s32 v3, v0;
	vm15 =	vlt.s32 v3, v1;
	v3 =	vshll.u32 v51, $0x8  }
0xa9: {  	vm0 =	vmand vm14, vm15;
	v3 =	vadd.s32 v50, v3  }
0xaa: {  	v3 =	vnsel vm0, $0x138800, v3  }
0xab: {  	[tilespmem:$0x9E10] =	vst v3  }
0xac: {  	v3 =	vld [tilespmem:s19+$0x20];
	_ =	sdelay $0x1  }
0xad: {  	v52 =	vld [tilespmem:s19+$0x4F20];
	_ =	sdelay $0x2  }
0xae: {  	v53 =	vsub.s32 v3, v0  }
0xaf: {  	vm4 =	vge.s32 v3, v0;
	vm5 =	vlt.s32 v3, v1;
	v3 =	vshll.u32 v53, $0x8  }
0xb0: {  	vm0 =	vmand vm4, vm5;
	v3 =	vadd.s32 v52, v3  }
0xb1: {  	v3 =	vnsel vm0, $0x138800, v3  }
0xb2: {  	[tilespmem:$0x9E20] =	vst v3  }
0xb3: {  	v3 =	vld [tilespmem:s19+$0x30];
	_ =	sdelay $0x1  }
0xb4: {  	v54 =	vld [tilespmem:s19+$0x4F30];
	_ =	sdelay $0x2  }
0xb5: {  	v55 =	vsub.s32 v3, v0  }
0xb6: {  	vm6 =	vge.s32 v3, v0;
	vm7 =	vlt.s32 v3, v1;
	v3 =	vshll.u32 v55, $0x8  }
0xb7: {  	vm0 =	vmand vm6, vm7;
	v3 =	vadd.s32 v54, v3  }
0xb8: {  	v3 =	vnsel vm0, $0x138800, v3  }
0xb9: {  	[tilespmem:$0x9E30] =	vst v3  }
0xba: {  	v3 =	vld [tilespmem:s19+$0x40];
	_ =	sdelay $0x1  }
0xbb: {  	v56 =	vld [tilespmem:s19+$0x4F40];
	_ =	sdelay $0x2  }
0xbc: {  	v57 =	vsub.s32 v3, v0  }
0xbd: {  	vm8 =	vge.s32 v3, v0;
	vm9 =	vlt.s32 v3, v1;
	v3 =	vshll.u32 v57, $0x8  }
0xbe: {  	vm0 =	vmand vm8, vm9;
	v3 =	vadd.s32 v56, v3  }
0xbf: {  	v3 =	vnsel vm0, $0x138800, v3  }
0xc0: {  	[tilespmem:$0x9E40] =	vst v3  }
0xc1: {  	v3 =	vld [tilespmem:s19+$0x50];
	_ =	sdelay $0x1  }
0xc2: {  	v58 =	vld [tilespmem:s19+$0x4F50];
	_ =	sdelay $0x2  }
0xc3: {  	v59 =	vsub.s32 v3, v0  }
0xc4: {  	vm10 =	vge.s32 v3, v0;
	vm11 =	vlt.s32 v3, v1;
	v3 =	vshll.u32 v59, $0x8  }
0xc5: {  	vm0 =	vmand vm10, vm11;
	v3 =	vadd.s32 v58, v3  }
0xc6: {  	v3 =	vnsel vm0, $0x138800, v3  }
0xc7: {  	[tilespmem:$0x9E50] =	vst v3  }
0xc8: {  	v3 =	vld [tilespmem:s19+$0x60];
	_ =	sdelay $0x1  }
0xc9: {  	v60 =	vld [tilespmem:s19+$0x4F60];
	_ =	sdelay $0x2  }
0xca: {  	v61 =	vsub.s32 v3, v0  }
0xcb: {  	vm12 =	vge.s32 v3, v0;
	vm13 =	vlt.s32 v3, v1;
	v3 =	vshll.u32 v61, $0x8  }
0xcc: {  	vm0 =	vmand vm12, vm13;
	v3 =	vadd.s32 v60, v3  }
0xcd: {  	v3 =	vnsel vm0, $0x138800, v3  }
0xce: {  	[tilespmem:$0x9E60] =	vst v3  }
0xcf: {  	v3 =	vld [tilespmem:s19+$0x70];
	_ =	sdelay $0x1  }
0xd0: {  	v62 =	vld [tilespmem:s19+$0x4F70];
	_ =	sdelay $0x2  }
0xd1: {  	v63 =	vsub.s32 v3, v0  }
0xd2: {  	vm14 =	vge.s32 v3, v0;
	vm15 =	vlt.s32 v3, v1;
	v3 =	vshll.u32 v63, $0x8  }
0xd3: {  	vm0 =	vmand vm14, vm15;
	v3 =	vadd.s32 v62, v3  }
0xd4: {  	v3 =	vnsel vm0, $0x138800, v3  }
0xd5: {  	[tilespmem:$0x9E70] =	vst v3  }
0xd6: {  	[spmem:s2] =	stream.indirect.scatter.add.f32 [tilespmem:s15], [sflag:$0x1], $0x1, s14, s13, $0xb8;
	[tilespmem:$0x1DF00] =	vst v63  }
0xd7: {  	_ =	swait.ge [sflag:s11], $0x80  }
0xd8: {  	s18 =	sadd.s32 $0x1, s18;
	[sflag:s11] =	ssyncset.done $0x0  }
0xd9: {  	p0 =	sne.s32 s18, s9;
	[sflag:s11] =	ssyncadd.s32 $0xFFFFFF80  }
.Ltmp1:
0xda: {  	[bflag:$0x0] =	sbarrier.arrive $0xFFFF;
	(pc) =	sbr.rel @p0 .LBB2_1-.Ltmp1, $4  }
0xdb: {  	[hbm:s8@s16], [sflag:s5] =	dma.strided [spmem:s10@s17], $0x2800, s11, $0x10   }
0xdc: {  	_ =	swait.ge [sflag:s11], $0x2800  }
0xdd: {  	[sflag:s11] =	ssyncset.done $0x0  }
0xde: {  	[sflag:s11] =	ssyncadd.s32 $0xFFFFD800  }
0xdf: {  	_ =	sfence.sel $0x180000  }
0xe0: {  	[bflag:$0x0] =	sbarrier.arrive $0xFFFF  }
0xe1: {  	p0 =	sne.s32 s1, $0x0;
	_ =	strace $0x90000047  }
0xe2: {  	s0 =	sadd.s32 @!p0 $0x100000, s0;
	[bflag:$0x2] =	sbarrier.arrive $0xFFFF  }
0xe3: {  	[sflag:s0] =	ssyncadd.tile.s32 @!p0 $0x1;
	_ =	shalt  }
.Lfunc_end2:
_tile_overlayer_lowered:
.L_overlay_start_2:
0xe4: {  	(tag) =	ssettag $0x2  }
0xe5: {  	s0 =	rddreg [dreg:$0x0];
	s2 =	stileid.u32  }
0xe6: {  	s1 =	rddreg [dreg:$0x1];
	p0 =	sne.s32 s2, $0x0  }
0xe7: {  	s3 =	rddreg [dreg:$0x2];
	[bflag:$0x3] =	sbarrier.arrive $0xFFFF;
	s2 =	simm.s32 @!p0 $0x1C01  }
0xe8: {  	[timem:s3], [sflag:s2] =	dma.local @!p0 [hbm:s0], s1  }
0xe9: {  	s0 =	simm.s32 @!p0 $0x1  }
0xea: {  	_ =	swait.ge @!p0 [sflag:s0], s1  }
0xeb: {  	s1 =	ssub.s32 @!p0 $0x0, s1;
	[sflag:s0] =	ssyncset.done @!p0 $0x0  }
0xec: {  	[sflag:s0] =	ssyncadd.s32 @!p0 s1  }
0xed: {  	[bflag:$0x3] =	sbarrier.arrive $0xFFFF  }
0xee: {  	_ =	shalt  }

</sc_bundles>
